<compile_context>
chip_gen: v7x
topology: tpu7x:2x2x1
jax: 0.10.2.dev20260603
libtpu: 0.0.44.dev20260713+nightly
codegen_flags: <defaults>
</compile_context>

<pallas_src>
import jax
import jax.numpy as jnp
from jax import lax
from jax.experimental import pallas as pl
from jax.experimental.pallas import tpu as pltpu
from jax.experimental.pallas import tpu_sc as plsc

H = 64
W = 64
NW = 32
CHUNK = 4
NBUF = 6
LAG = 3
LANES = 16


def _sc_kernel(fov_hbm, act_hbm, pos_hbm, tab_hbm, val_hbm,
               out_hbm, pos_out_hbm, mask_out_hbm,
               bufs, abuf, pbuf, pobuf, mobuf, tabbuf, valbuf,
               ysbuf, xsbuf, dybuf, dxbuf, f1buf, f0buf, cellbuf,
               sis, sos, sm):
    B = fov_hbm.shape[0]
    rpw = B // NW
    nch = rpw // CHUNK
    wid = lax.axis_index("s") * 2 + lax.axis_index("c")
    base = wid * rpw

    def start_in(g, b):
        pltpu.make_async_copy(
            fov_hbm.at[pl.ds(base + g * CHUNK, CHUNK)], bufs[b], sis[b]).start()

    def wait_in(g, b):
        pltpu.make_async_copy(
            fov_hbm.at[pl.ds(base + g * CHUNK, CHUNK)], bufs[b], sis[b]).wait()

    def start_out(g, b):
        pltpu.make_async_copy(
            bufs[b], out_hbm.at[pl.ds(base + g * CHUNK, CHUNK)], sos[b]).start()

    def wait_out(g, b):
        pltpu.make_async_copy(
            bufs[b], out_hbm.at[pl.ds(base + g * CHUNK, CHUNK)], sos[b]).wait()

    pltpu.make_async_copy(act_hbm.at[pl.ds(base, rpw)],
                          abuf.at[pl.ds(0, rpw)], sm).start()
    pltpu.make_async_copy(pos_hbm.at[pl.ds(2 * base, 2 * rpw)],
                          pbuf.at[pl.ds(0, 2 * rpw)], sm).start()
    pltpu.make_async_copy(tab_hbm, tabbuf, sm).start()
    pltpu.make_async_copy(val_hbm, valbuf, sm).start()
    for b in range(NBUF):
        start_in(b, b)
    pltpu.make_async_copy(act_hbm.at[pl.ds(base, rpw)],
                          abuf.at[pl.ds(0, rpw)], sm).wait()
    pltpu.make_async_copy(pos_hbm.at[pl.ds(2 * base, 2 * rpw)],
                          pbuf.at[pl.ds(0, 2 * rpw)], sm).wait()
    pltpu.make_async_copy(tab_hbm, tabbuf, sm).wait()
    pltpu.make_async_copy(val_hbm, valbuf, sm).wait()

    k16 = lax.iota(jnp.int32, LANES)
    lane_ok = k16 < CHUNK
    krow = jnp.where(lane_ok, k16, 0)
    val_vec = valbuf[...]

    def pre(j, carry):
        rows = j * LANES + k16
        aidx = jnp.clip(abuf[pl.ds(j * LANES, LANES)], 0, 8)
        ys = plsc.load_gather(pbuf, [2 * rows])
        xs = plsc.load_gather(pbuf, [2 * rows + 1])
        dy = plsc.load_gather(tabbuf, [2 * aidx])
        dx = plsc.load_gather(tabbuf, [2 * aidx + 1])
        ny = jnp.clip(ys + dy, 0, H - 1)
        nx = jnp.clip(xs + dx, 0, W - 1)
        ysbuf[pl.ds(j * LANES, LANES)] = ys
        xsbuf[pl.ds(j * LANES, LANES)] = xs
        dybuf[pl.ds(j * LANES, LANES)] = dy
        dxbuf[pl.ds(j * LANES, LANES)] = dx
        f1buf[pl.ds(j * LANES, LANES)] = ny * W + nx
        f0buf[pl.ds(j * LANES, LANES)] = ys * W + xs
        return carry

    lax.fori_loop(0, rpw // LANES, pre, 0)

    def process(g, b):
        rl = g * CHUNK
        buf = bufs[b]
        f1 = jnp.where(lane_ok, f1buf[pl.ds(rl, LANES)], 0)
        cell = plsc.load_gather(buf, [krow, f1], mask=lane_ok)
        cellbuf[pl.ds(rl, LANES)] = cell
        f2 = jnp.where(cell == 1.0, f0buf[pl.ds(rl, LANES)], f1)
        plsc.store_scatter(buf, [krow, f2], val_vec, mask=lane_ok)

    def turn(g, b):
        wait_in(g, b)
        process(g, b)
        start_out(g, b)

        gm = jnp.maximum(g - LAG, 0)
        bm = (b + NBUF - LAG) % NBUF

        @pl.when(jnp.logical_and(g >= LAG, g - LAG + NBUF < nch))
        def _():
            wait_out(gm, bm)
            start_in(gm + NBUF, bm)

    def body(i, carry):
        for b in range(NBUF):
            turn(i * NBUF + b, b)
        return carry

    main_iters = nch // NBUF
    lax.fori_loop(0, main_iters, body, 0)
    for g in range(main_iters * NBUF, nch):
        turn(g, g % NBUF)

    def post(j, carry):
        rows = j * LANES + k16
        cell = cellbuf[pl.ds(j * LANES, LANES)]
        blocked = cell == 1.0
        y2 = ysbuf[pl.ds(j * LANES, LANES)] + jnp.where(
            blocked, 0, dybuf[pl.ds(j * LANES, LANES)])
        x2 = xsbuf[pl.ds(j * LANES, LANES)] + jnp.where(
            blocked, 0, dxbuf[pl.ds(j * LANES, LANES)])
        plsc.store_scatter(pobuf, [2 * rows], y2)
        plsc.store_scatter(pobuf, [2 * rows + 1], x2)
        mobuf[pl.ds(j * LANES, LANES)] = jnp.where(cell == 2.0, 1, 0)
        return carry

    lax.fori_loop(0, rpw // LANES, post, 0)

    pltpu.make_async_copy(pobuf.at[pl.ds(0, 2 * rpw)],
                          pos_out_hbm.at[pl.ds(2 * base, 2 * rpw)], sm).start()
    pltpu.make_async_copy(pobuf.at[pl.ds(0, 2 * rpw)],
                          pos_out_hbm.at[pl.ds(2 * base, 2 * rpw)], sm).wait()
    pltpu.make_async_copy(mobuf.at[pl.ds(0, rpw)],
                          mask_out_hbm.at[pl.ds(base, rpw)], sm).start()
    pltpu.make_async_copy(mobuf.at[pl.ds(0, rpw)],
                          mask_out_hbm.at[pl.ds(base, rpw)], sm).wait()
    for g in range(nch - 2 * LAG, nch):
        wait_out(g, g % NBUF)


def _sc_run(fov2d, act_flat, pos_flat, tab_pad, val_arr):
    B = fov2d.shape[0]
    rpw = B // NW
    mesh = plsc.VectorSubcoreMesh(core_axis_name="c", subcore_axis_name="s")
    meta_i32 = pltpu.VMEM((rpw + LANES,), jnp.int32)
    f = pl.kernel(
        _sc_kernel,
        out_type=[
            jax.ShapeDtypeStruct((B, H * W), jnp.float32),
            jax.ShapeDtypeStruct((2 * B,), jnp.int32),
            jax.ShapeDtypeStruct((B,), jnp.int32),
        ],
        mesh=mesh,
        compiler_params=pltpu.CompilerParams(needs_layout_passes=False),
        scratch_types=[
            [pltpu.VMEM((CHUNK, H * W), jnp.float32)] * NBUF,
            meta_i32,
            pltpu.VMEM((2 * rpw + 2 * LANES,), jnp.int32),
            pltpu.VMEM((2 * rpw + 2 * LANES,), jnp.int32),
            meta_i32,
            pltpu.VMEM((32,), jnp.int32),
            pltpu.VMEM((LANES,), jnp.float32),
            meta_i32,
            meta_i32,
            meta_i32,
            meta_i32,
            meta_i32,
            meta_i32,
            pltpu.VMEM((rpw + LANES,), jnp.float32),
            [pltpu.SemaphoreType.DMA] * NBUF,
            [pltpu.SemaphoreType.DMA] * NBUF,
            pltpu.SemaphoreType.DMA,
        ],
    )
    return f(fov2d, act_flat, pos_flat, tab_pad, val_arr)


def kernel(fov, batch_logit_prob, batch_top_k_prob, batch_action_idx,
           possible_actions, batch_agent_current_pos, step):
    B = fov.shape[0]
    val_arr = jnp.full((LANES,), 3.0 + jnp.asarray(step, jnp.float32),
                       jnp.float32)
    tab_pad = jnp.zeros((32,), jnp.int32).at[:18].set(
        possible_actions.reshape(18))
    new_fov, pos_out, tmask = _sc_run(
        fov.reshape(B, H * W),
        batch_action_idx.reshape(B),
        batch_agent_current_pos.reshape(2 * B),
        tab_pad,
        val_arr)
    return (new_fov.reshape(B, H, W), pos_out.reshape(B, 2),
            tmask.astype(bool),
            batch_action_idx, batch_logit_prob, batch_top_k_prob)

# --- scband reference (transcript-rebuilt; emitter-appended) ---
"""Pipeline reference for scband-rldata-record-18038862643279 (READ-ONLY COPY).

The authoritative reference and input builder live on the scoring server;
editing this copy changes nothing except your own understanding.
"""

import jax, jax.numpy as jnp
import numpy as np

B = 16384
H = 64
W = 64
A = 9
ENCODE_BLOCK = 1.0
ENCODE_TARGET_POS = 2.0
ENCODE_START_STEP_IDX = 3.0
WORLD_MIN_Y, WORLD_MAX_Y = 0, H - 1
WORLD_MIN_X, WORLD_MAX_X = 0, W - 1


def setup_inputs(seed: int = 0) -> dict:
    key = jax.random.key(seed)
    k1, k2, k3, k4, k5 = jax.random.split(key, 5)
    # fov encodes cell types: values in {0,1,2,3}; 1=BLOCK, 2=TARGET, >=3 step marks
    fov = jnp.floor(jax.random.uniform(k1, (B, H, W)) * 4.0).astype(jnp.float32)
    batch_action_idx = jax.random.randint(k2, (B, 1), 0, A).astype(jnp.int32)
    batch_logit_prob = jax.random.normal(k3, (B, 1), dtype=jnp.float32)
    batch_top_k_prob = jax.random.normal(k4, (B, 1), dtype=jnp.float32)
    # 3x3 grid of move offsets in {-1,0,1}^2; index A//2 = 4 is [0,0] (NO_MOVE)
    gy, gx = jnp.meshgrid(jnp.arange(-1, 2), jnp.arange(-1, 2), indexing='ij')
    possible_actions = jnp.stack([gy, gx], axis=-1).reshape(A, 2).astype(jnp.int32)
    batch_agent_current_pos = jax.random.randint(k5, (B, 2), 1, H - 1).astype(jnp.int32)
    step = 5
    return {
        'fov': fov,
        'batch_logit_prob': batch_logit_prob,
        'batch_top_k_prob': batch_top_k_prob,
        'batch_action_idx': batch_action_idx,
        'possible_actions': possible_actions,
        'batch_agent_current_pos': batch_agent_current_pos,
        'step': step,
    }


def reference(fov, batch_logit_prob, batch_top_k_prob, batch_action_idx,
              possible_actions, batch_agent_current_pos, step):
    Bn = fov.shape[0]
    rows = jnp.arange(Bn)
    # batch_actions = possible_actions[action_idx.squeeze(1)]  (gather)
    batch_actions = jnp.take(possible_actions, batch_action_idx[:, 0], axis=0)
    # proposed next position, clamped to world bounds
    batch_agent_next_pos = batch_agent_current_pos + batch_actions
    ny = jnp.clip(batch_agent_next_pos[:, 0], WORLD_MIN_Y, WORLD_MAX_Y)
    nx = jnp.clip(batch_agent_next_pos[:, 1], WORLD_MIN_X, WORLD_MAX_X)
    # batched gather of the cell each agent would step into
    cell = fov[rows, ny, nx]
    blocked_pos_mask = cell == ENCODE_BLOCK
    reach_target_pos_mask = cell == ENCODE_TARGET_POS
    batch_at_target_position_mask = reach_target_pos_mask  # first step: history is None
    # zero-out actions into blocked cells
    batch_actions = jnp.where(blocked_pos_mask[:, None], jnp.zeros_like(batch_actions), batch_actions)
    new_pos = batch_agent_current_pos + batch_actions
    y2 = jnp.clip(new_pos[:, 0], WORLD_MIN_Y, WORLD_MAX_Y)
    x2 = jnp.clip(new_pos[:, 1], WORLD_MIN_X, WORLD_MAX_X)
    # batched scatter-overwrite: mark visited cell with step code
    new_fov = fov.at[rows, y2, x2].set(ENCODE_START_STEP_IDX + jnp.float32(step))
    # first-step histories are just the incoming tensors
    batch_action_idx_history = batch_action_idx
    batch_logit_prob_history = batch_logit_prob
    batch_top_k_prob_history = batch_top_k_prob
    return (new_fov, new_pos, batch_at_target_position_mask,
            batch_action_idx_history, batch_logit_prob_history, batch_top_k_prob_history)

if __name__ == "__main__":
    import jax
    _d = setup_inputs()
    print(jax.jit(kernel)(*tuple(_d.values())))

</pallas_src>

<mosaic_0001>
#map = affine_map<(d0, d1) -> (0, 0)>
#map1 = affine_map<(d0, d1) -> (0)>
module attributes {stable_mosaic.version = 14 : i64} {
  func.func @_sc_kernel(%arg0: i32, %arg1: i32, %arg2: memref<16384x4096xf32, #tpu.memory_space<hbm>>, %arg3: memref<16384xi32, #tpu.memory_space<hbm>>, %arg4: memref<32768xi32, #tpu.memory_space<hbm>>, %arg5: memref<32xi32, #tpu.memory_space<hbm>>, %arg6: memref<16xf32, #tpu.memory_space<hbm>>, %arg7: memref<16384x4096xf32, #tpu.memory_space<hbm>>, %arg8: memref<32768xi32, #tpu.memory_space<hbm>>, %arg9: memref<16384xi32, #tpu.memory_space<hbm>>, %arg10: memref<4x4096xf32, #tpu.memory_space<vmem>>, %arg11: memref<4x4096xf32, #tpu.memory_space<vmem>>, %arg12: memref<4x4096xf32, #tpu.memory_space<vmem>>, %arg13: memref<4x4096xf32, #tpu.memory_space<vmem>>, %arg14: memref<4x4096xf32, #tpu.memory_space<vmem>>, %arg15: memref<4x4096xf32, #tpu.memory_space<vmem>>, %arg16: memref<528xi32, #tpu.memory_space<vmem>>, %arg17: memref<1056xi32, #tpu.memory_space<vmem>>, %arg18: memref<1056xi32, #tpu.memory_space<vmem>>, %arg19: memref<528xi32, #tpu.memory_space<vmem>>, %arg20: memref<32xi32, #tpu.memory_space<vmem>>, %arg21: memref<16xf32, #tpu.memory_space<vmem>>, %arg22: memref<528xi32, #tpu.memory_space<vmem>>, %arg23: memref<528xi32, #tpu.memory_space<vmem>>, %arg24: memref<528xi32, #tpu.memory_space<vmem>>, %arg25: memref<528xi32, #tpu.memory_space<vmem>>, %arg26: memref<528xi32, #tpu.memory_space<vmem>>, %arg27: memref<528xi32, #tpu.memory_space<vmem>>, %arg28: memref<528xf32, #tpu.memory_space<vmem>>, %arg29: memref<!tpu.dma_semaphore, #tpu.memory_space<semaphore_mem>>, %arg30: memref<!tpu.dma_semaphore, #tpu.memory_space<semaphore_mem>>, %arg31: memref<!tpu.dma_semaphore, #tpu.memory_space<semaphore_mem>>, %arg32: memref<!tpu.dma_semaphore, #tpu.memory_space<semaphore_mem>>, %arg33: memref<!tpu.dma_semaphore, #tpu.memory_space<semaphore_mem>>, %arg34: memref<!tpu.dma_semaphore, #tpu.memory_space<semaphore_mem>>, %arg35: memref<!tpu.dma_semaphore, #tpu.memory_space<semaphore_mem>>, %arg36: memref<!tpu.dma_semaphore, #tpu.memory_space<semaphore_mem>>, %arg37: memref<!tpu.dma_semaphore, #tpu.memory_space<semaphore_mem>>, %arg38: memref<!tpu.dma_semaphore, #tpu.memory_space<semaphore_mem>>, %arg39: memref<!tpu.dma_semaphore, #tpu.memory_space<semaphore_mem>>, %arg40: memref<!tpu.dma_semaphore, #tpu.memory_space<semaphore_mem>>, %arg41: memref<!tpu.dma_semaphore, #tpu.memory_space<semaphore_mem>>) attributes {dimension_semantics = [#tpu.dimension_semantics<core_parallel>, #tpu.dimension_semantics<subcore_parallel>], iteration_bounds = array<i64: 2, 16>, scalar_prefetch = 0 : i64, scratch_operands = 32 : i64, tpu.core_type = #tpu.core_type<sc_vector_subcore>, window_params = [{transform_indices = #map}, {transform_indices = #map1}, {transform_indices = #map1}, {transform_indices = #map1}, {transform_indices = #map1}, {transform_indices = #map}, {transform_indices = #map1}, {transform_indices = #map1}]} {
    %mul3A = arith.constant 2 : i32
    %mul3A_0 = arith.muli %arg1, %mul3A : i32
    %add3A = arith.addi %mul3A_0, %arg0 : i32
    %mul3A_1 = arith.constant 512 : i32
    %mul3A_2 = arith.muli %add3A, %mul3A_1 : i32
    %dma_start3A = arith.constant 0 : i32
    %dma_start3A_3 = tpu.memref_slice %arg16[%dma_start3A] : memref<528xi32, #tpu.memory_space<vmem>> -> memref<512xi32, #tpu.memory_space<vmem>>
    %dma_start3A_4 = tpu.memref_slice %arg3[%mul3A_2] : memref<16384xi32, #tpu.memory_space<hbm>> -> memref<512xi32, #tpu.memory_space<hbm>>
    %dma_start3A_5 = arith.constant 0 : i32
    %dma_start3A_6 = tpu.memref_slice %arg16[%dma_start3A_5] : memref<528xi32, #tpu.memory_space<vmem>> -> memref<512xi32, #tpu.memory_space<vmem>>
    %dma_start3A_7 = tpu.memref_slice %arg3[%mul3A_2] : memref<16384xi32, #tpu.memory_space<hbm>> -> memref<512xi32, #tpu.memory_space<hbm>>
    tpu.enqueue_dma source(%dma_start3A_7 : memref<512xi32, #tpu.memory_space<hbm>>) target(%dma_start3A_6 : memref<512xi32, #tpu.memory_space<vmem>>) target_semaphore(%arg41 : memref<!tpu.dma_semaphore, #tpu.memory_space<semaphore_mem>>)
    %mul3A_8 = arith.constant 2 : i32
    %mul3A_9 = arith.muli %mul3A_8, %mul3A_2 : i32
    %dma_start3A_10 = arith.constant 0 : i32
    %dma_start3A_11 = tpu.memref_slice %arg17[%dma_start3A_10] : memref<1056xi32, #tpu.memory_space<vmem>> -> memref<1024xi32, #tpu.memory_space<vmem>>
    %dma_start3A_12 = tpu.memref_slice %arg4[%mul3A_9] : memref<32768xi32, #tpu.memory_space<hbm>> -> memref<1024xi32, #tpu.memory_space<hbm>>
    %dma_start3A_13 = arith.constant 0 : i32
    %dma_start3A_14 = tpu.memref_slice %arg17[%dma_start3A_13] : memref<1056xi32, #tpu.memory_space<vmem>> -> memref<1024xi32, #tpu.memory_space<vmem>>
    %dma_start3A_15 = tpu.memref_slice %arg4[%mul3A_9] : memref<32768xi32, #tpu.memory_space<hbm>> -> memref<1024xi32, #tpu.memory_space<hbm>>
    tpu.enqueue_dma source(%dma_start3A_15 : memref<1024xi32, #tpu.memory_space<hbm>>) target(%dma_start3A_14 : memref<1024xi32, #tpu.memory_space<vmem>>) target_semaphore(%arg41 : memref<!tpu.dma_semaphore, #tpu.memory_space<semaphore_mem>>)
    tpu.enqueue_dma source(%arg5 : memref<32xi32, #tpu.memory_space<hbm>>) target(%arg20 : memref<32xi32, #tpu.memory_space<vmem>>) target_semaphore(%arg41 : memref<!tpu.dma_semaphore, #tpu.memory_space<semaphore_mem>>)
    tpu.enqueue_dma source(%arg6 : memref<16xf32, #tpu.memory_space<hbm>>) target(%arg21 : memref<16xf32, #tpu.memory_space<vmem>>) target_semaphore(%arg41 : memref<!tpu.dma_semaphore, #tpu.memory_space<semaphore_mem>>)
    %add3A_16 = arith.constant 0 : i32
    %add3A_17 = arith.addi %mul3A_2, %add3A_16 : i32
    %dma_start3A_18 = arith.constant 0 : i32
    %dma_start3A_19 = tpu.memref_slice %arg2[%add3A_17, %dma_start3A_18] : memref<16384x4096xf32, #tpu.memory_space<hbm>> -> memref<4x4096xf32, #tpu.memory_space<hbm>>
    %dma_start3A_20 = arith.constant 0 : i32
    %dma_start3A_21 = tpu.memref_slice %arg2[%add3A_17, %dma_start3A_20] : memref<16384x4096xf32, #tpu.memory_space<hbm>> -> memref<4x4096xf32, #tpu.memory_space<hbm>>
    tpu.enqueue_dma source(%dma_start3A_21 : memref<4x4096xf32, #tpu.memory_space<hbm>>) target(%arg10 : memref<4x4096xf32, #tpu.memory_space<vmem>>) target_semaphore(%arg29 : memref<!tpu.dma_semaphore, #tpu.memory_space<semaphore_mem>>)
    %add3A_22 = arith.constant 4 : i32
    %add3A_23 = arith.addi %mul3A_2, %add3A_22 : i32
    %dma_start3A_24 = arith.constant 0 : i32
    %dma_start3A_25 = tpu.memref_slice %arg2[%add3A_23, %dma_start3A_24] : memref<16384x4096xf32, #tpu.memory_space<hbm>> -> memref<4x4096xf32, #tpu.memory_space<hbm>>
    %dma_start3A_26 = arith.constant 0 : i32
    %dma_start3A_27 = tpu.memref_slice %arg2[%add3A_23, %dma_start3A_26] : memref<16384x4096xf32, #tpu.memory_space<hbm>> -> memref<4x4096xf32, #tpu.memory_space<hbm>>
    tpu.enqueue_dma source(%dma_start3A_27 : memref<4x4096xf32, #tpu.memory_space<hbm>>) target(%arg11 : memref<4x4096xf32, #tpu.memory_space<vmem>>) target_semaphore(%arg30 : memref<!tpu.dma_semaphore, #tpu.memory_space<semaphore_mem>>)
    %add3A_28 = arith.constant 8 : i32
    %add3A_29 = arith.addi %mul3A_2, %add3A_28 : i32
    %dma_start3A_30 = arith.constant 0 : i32
    %dma_start3A_31 = tpu.memref_slice %arg2[%add3A_29, %dma_start3A_30] : memref<16384x4096xf32, #tpu.memory_space<hbm>> -> memref<4x4096xf32, #tpu.memory_space<hbm>>
    %dma_start3A_32 = arith.constant 0 : i32
    %dma_start3A_33 = tpu.memref_slice %arg2[%add3A_29, %dma_start3A_32] : memref<16384x4096xf32, #tpu.memory_space<hbm>> -> memref<4x4096xf32, #tpu.memory_space<hbm>>
    tpu.enqueue_dma source(%dma_start3A_33 : memref<4x4096xf32, #tpu.memory_space<hbm>>) target(%arg12 : memref<4x4096xf32, #tpu.memory_space<vmem>>) target_semaphore(%arg31 : memref<!tpu.dma_semaphore, #tpu.memory_space<semaphore_mem>>)
    %add3A_34 = arith.constant 12 : i32
    %add3A_35 = arith.addi %mul3A_2, %add3A_34 : i32
    %dma_start3A_36 = arith.constant 0 : i32
    %dma_start3A_37 = tpu.memref_slice %arg2[%add3A_35, %dma_start3A_36] : memref<16384x4096xf32, #tpu.memory_space<hbm>> -> memref<4x4096xf32, #tpu.memory_space<hbm>>
    %dma_start3A_38 = arith.constant 0 : i32
    %dma_start3A_39 = tpu.memref_slice %arg2[%add3A_35, %dma_start3A_38] : memref<16384x4096xf32, #tpu.memory_space<hbm>> -> memref<4x4096xf32, #tpu.memory_space<hbm>>
    tpu.enqueue_dma source(%dma_start3A_39 : memref<4x4096xf32, #tpu.memory_space<hbm>>) target(%arg13 : memref<4x4096xf32, #tpu.memory_space<vmem>>) target_semaphore(%arg32 : memref<!tpu.dma_semaphore, #tpu.memory_space<semaphore_mem>>)
    %add3A_40 = arith.constant 16 : i32
    %add3A_41 = arith.addi %mul3A_2, %add3A_40 : i32
    %dma_start3A_42 = arith.constant 0 : i32
    %dma_start3A_43 = tpu.memref_slice %arg2[%add3A_41, %dma_start3A_42] : memref<16384x4096xf32, #tpu.memory_space<hbm>> -> memref<4x4096xf32, #tpu.memory_space<hbm>>
    %dma_start3A_44 = arith.constant 0 : i32
    %dma_start3A_45 = tpu.memref_slice %arg2[%add3A_41, %dma_start3A_44] : memref<16384x4096xf32, #tpu.memory_space<hbm>> -> memref<4x4096xf32, #tpu.memory_space<hbm>>
    tpu.enqueue_dma source(%dma_start3A_45 : memref<4x4096xf32, #tpu.memory_space<hbm>>) target(%arg14 : memref<4x4096xf32, #tpu.memory_space<vmem>>) target_semaphore(%arg33 : memref<!tpu.dma_semaphore, #tpu.memory_space<semaphore_mem>>)
    %add3A_46 = arith.constant 20 : i32
    %add3A_47 = arith.addi %mul3A_2, %add3A_46 : i32
    %dma_start3A_48 = arith.constant 0 : i32
    %dma_start3A_49 = tpu.memref_slice %arg2[%add3A_47, %dma_start3A_48] : memref<16384x4096xf32, #tpu.memory_space<hbm>> -> memref<4x4096xf32, #tpu.memory_space<hbm>>
    %dma_start3A_50 = arith.constant 0 : i32
    %dma_start3A_51 = tpu.memref_slice %arg2[%add3A_47, %dma_start3A_50] : memref<16384x4096xf32, #tpu.memory_space<hbm>> -> memref<4x4096xf32, #tpu.memory_space<hbm>>
    tpu.enqueue_dma source(%dma_start3A_51 : memref<4x4096xf32, #tpu.memory_space<hbm>>) target(%arg15 : memref<4x4096xf32, #tpu.memory_space<vmem>>) target_semaphore(%arg34 : memref<!tpu.dma_semaphore, #tpu.memory_space<semaphore_mem>>)
    %dma_wait3A = arith.constant 0 : i32
    %dma_wait3A_52 = tpu.memref_slice %arg16[%dma_wait3A] : memref<528xi32, #tpu.memory_space<vmem>> -> memref<512xi32, #tpu.memory_space<vmem>>
    %dma_wait3A_53 = tpu.memref_slice %arg3[%mul3A_2] : memref<16384xi32, #tpu.memory_space<hbm>> -> memref<512xi32, #tpu.memory_space<hbm>>
    %dma_wait3A_54 = arith.constant 0 : i32
    %dma_wait3A_55 = tpu.memref_slice %arg16[%dma_wait3A_54] : memref<528xi32, #tpu.memory_space<vmem>> -> memref<512xi32, #tpu.memory_space<vmem>>
    %dma_wait3A_56 = tpu.memref_slice %arg3[%mul3A_2] : memref<16384xi32, #tpu.memory_space<hbm>> -> memref<512xi32, #tpu.memory_space<hbm>>
    tpu.wait_dma2 semaphore(%arg41 : memref<!tpu.dma_semaphore, #tpu.memory_space<semaphore_mem>>) src(%dma_wait3A_56 : memref<512xi32, #tpu.memory_space<hbm>>) dst(%dma_wait3A_55 : memref<512xi32, #tpu.memory_space<vmem>>)
    %mul3A_57 = arith.constant 2 : i32
    %mul3A_58 = arith.muli %mul3A_57, %mul3A_2 : i32
    %dma_wait3A_59 = arith.constant 0 : i32
    %dma_wait3A_60 = tpu.memref_slice %arg17[%dma_wait3A_59] : memref<1056xi32, #tpu.memory_space<vmem>> -> memref<1024xi32, #tpu.memory_space<vmem>>
    %dma_wait3A_61 = tpu.memref_slice %arg4[%mul3A_58] : memref<32768xi32, #tpu.memory_space<hbm>> -> memref<1024xi32, #tpu.memory_space<hbm>>
    %dma_wait3A_62 = arith.constant 0 : i32
    %dma_wait3A_63 = tpu.memref_slice %arg17[%dma_wait3A_62] : memref<1056xi32, #tpu.memory_space<vmem>> -> memref<1024xi32, #tpu.memory_space<vmem>>
    %dma_wait3A_64 = tpu.memref_slice %arg4[%mul3A_58] : memref<32768xi32, #tpu.memory_space<hbm>> -> memref<1024xi32, #tpu.memory_space<hbm>>
    tpu.wait_dma2 semaphore(%arg41 : memref<!tpu.dma_semaphore, #tpu.memory_space<semaphore_mem>>) src(%dma_wait3A_64 : memref<1024xi32, #tpu.memory_space<hbm>>) dst(%dma_wait3A_63 : memref<1024xi32, #tpu.memory_space<vmem>>)
    tpu.wait_dma2 semaphore(%arg41 : memref<!tpu.dma_semaphore, #tpu.memory_space<semaphore_mem>>) src(%arg5 : memref<32xi32, #tpu.memory_space<hbm>>) dst(%arg20 : memref<32xi32, #tpu.memory_space<vmem>>)
    tpu.wait_dma2 semaphore(%arg41 : memref<!tpu.dma_semaphore, #tpu.memory_space<semaphore_mem>>) src(%arg6 : memref<16xf32, #tpu.memory_space<hbm>>) dst(%arg21 : memref<16xf32, #tpu.memory_space<vmem>>)
    %iota3A = tpu.iota {dimensions = array<i32: 0>} : vector<16xi32>
    %lt3A = arith.constant 4 : i32
    %lt3A_65 = vector.broadcast %lt3A : i32 to vector<16xi32>
    %lt3A_66 = arith.cmpi slt, %iota3A, %lt3A_65 : vector<16xi32>
    %jit3A = arith.constant 0 : i32
    %broadcast_in_dim3A = vector.broadcast %jit3A : i32 to vector<16xi32>
    %select_n3A = arith.select %lt3A_66, %iota3A, %broadcast_in_dim3A : vector<16xi1>, vector<16xi32>
    %get3A = arith.constant 0 : index
    %get3A_67 = tpu.vector_load %arg21[%get3A] {strides = array<i32>} : memref<16xf32, #tpu.memory_space<vmem>>, vector<16xf32>,
    %scan3A = arith.constant 0 : i32
    %scan3A_68 = arith.constant 0 : i32
    %scan3A_69 = arith.constant 32 : i32
    %scan3A_70 = arith.addi %scan3A_68, %scan3A_69 : i32
    %scan3A_71 = arith.constant 1 : i32
    scf.for %scan3A_212 = %scan3A_68 to %scan3A_70 step %scan3A_71  : i32 {
      %mul3A_213 = arith.constant 16 : i32
      %mul3A_214 = arith.muli %scan3A_212, %mul3A_213 : i32
      %add3A_215 = vector.broadcast %mul3A_214 : i32 to vector<16xi32>
      %add3A_216 = arith.addi %add3A_215, %iota3A : vector<16xi32>
      %mul3A_217 = arith.constant 16 : i32
      %mul3A_218 = arith.muli %scan3A_212, %mul3A_217 : i32
      %get3A_219 = arith.index_cast %mul3A_218 : i32 to index
      %get3A_220 = tpu.vector_load %arg16[%get3A_219] {strides = array<i32>} : memref<528xi32, #tpu.memory_space<vmem>>, vector<16xi32>,
      %jit3A_221 = arith.constant 0 : i32
      %jit3A_222 = arith.constant 8 : i32
      %max3A_223 = vector.broadcast %jit3A_221 : i32 to vector<16xi32>
      %max3A_224 = arith.maxsi %max3A_223, %get3A_220 : vector<16xi32>
      %min3A = vector.broadcast %jit3A_222 : i32 to vector<16xi32>
      %min3A_225 = arith.minsi %min3A, %max3A_224 : vector<16xi32>
      %mul3A_226 = arith.constant 2 : i32
      %mul3A_227 = vector.broadcast %mul3A_226 : i32 to vector<16xi32>
      %mul3A_228 = arith.muli %mul3A_227, %add3A_216 : vector<16xi32>
      %gather3A_229 = tpu.vector_load_idx %arg17[%mul3A_228] : memref<1056xi32, #tpu.memory_space<vmem>>[vector<16xi32>], vector<16xi32>,
      %mul3A_230 = arith.constant 2 : i32
      %mul3A_231 = vector.broadcast %mul3A_230 : i32 to vector<16xi32>
      %mul3A_232 = arith.muli %mul3A_231, %add3A_216 : vector<16xi32>
      %add3A_233 = arith.constant 1 : i32
      %add3A_234 = vector.broadcast %add3A_233 : i32 to vector<16xi32>
      %add3A_235 = arith.addi %mul3A_232, %add3A_234 : vector<16xi32>
      %gather3A_236 = tpu.vector_load_idx %arg17[%add3A_235] : memref<1056xi32, #tpu.memory_space<vmem>>[vector<16xi32>], vector<16xi32>,
      %mul3A_237 = arith.constant 2 : i32
      %mul3A_238 = vector.broadcast %mul3A_237 : i32 to vector<16xi32>
      %mul3A_239 = arith.muli %mul3A_238, %min3A_225 : vector<16xi32>
      %gather3A_240 = tpu.vector_load_idx %arg20[%mul3A_239] : memref<32xi32, #tpu.memory_space<vmem>>[vector<16xi32>], vector<16xi32>,
      %mul3A_241 = arith.constant 2 : i32
      %mul3A_242 = vector.broadcast %mul3A_241 : i32 to vector<16xi32>
      %mul3A_243 = arith.muli %mul3A_242, %min3A_225 : vector<16xi32>
      %add3A_244 = arith.constant 1 : i32
      %add3A_245 = vector.broadcast %add3A_244 : i32 to vector<16xi32>
      %add3A_246 = arith.addi %mul3A_243, %add3A_245 : vector<16xi32>
      %gather3A_247 = tpu.vector_load_idx %arg20[%add3A_246] : memref<32xi32, #tpu.memory_space<vmem>>[vector<16xi32>], vector<16xi32>,
      %add3A_248 = arith.addi %gather3A_229, %gather3A_240 : vector<16xi32>
      %jit3A_249 = arith.constant 0 : i32
      %jit3A_250 = arith.constant 63 : i32
      %max3A_251 = vector.broadcast %jit3A_249 : i32 to vector<16xi32>
      %max3A_252 = arith.maxsi %max3A_251, %add3A_248 : vector<16xi32>
      %min3A_253 = vector.broadcast %jit3A_250 : i32 to vector<16xi32>
      %min3A_254 = arith.minsi %min3A_253, %max3A_252 : vector<16xi32>
      %add3A_255 = arith.addi %gather3A_236, %gather3A_247 : vector<16xi32>
      %jit3A_256 = arith.constant 0 : i32
      %jit3A_257 = arith.constant 63 : i32
      %max3A_258 = vector.broadcast %jit3A_256 : i32 to vector<16xi32>
      %max3A_259 = arith.maxsi %max3A_258, %add3A_255 : vector<16xi32>
      %min3A_260 = vector.broadcast %jit3A_257 : i32 to vector<16xi32>
      %min3A_261 = arith.minsi %min3A_260, %max3A_259 : vector<16xi32>
      %mul3A_262 = arith.constant 16 : i32
      %mul3A_263 = arith.muli %scan3A_212, %mul3A_262 : i32
      %swap3A_264 = arith.index_cast %mul3A_263 : i32 to index
      %swap3A_265 = tpu.vector_load %arg22[%swap3A_264] {strides = array<i32>} : memref<528xi32, #tpu.memory_space<vmem>>, vector<16xi32>,
      tpu.vector_store %arg22[%swap3A_264], %gather3A_229 {strides = array<i32>} : memref<528xi32, #tpu.memory_space<vmem>>, vector<16xi32>,
      %mul3A_266 = arith.constant 16 : i32
      %mul3A_267 = arith.muli %scan3A_212, %mul3A_266 : i32
      %swap3A_268 = arith.index_cast %mul3A_267 : i32 to index
      %swap3A_269 = tpu.vector_load %arg23[%swap3A_268] {strides = array<i32>} : memref<528xi32, #tpu.memory_space<vmem>>, vector<16xi32>,
      tpu.vector_store %arg23[%swap3A_268], %gather3A_236 {strides = array<i32>} : memref<528xi32, #tpu.memory_space<vmem>>, vector<16xi32>,
      %mul3A_270 = arith.constant 16 : i32
      %mul3A_271 = arith.muli %scan3A_212, %mul3A_270 : i32
      %swap3A_272 = arith.index_cast %mul3A_271 : i32 to index
      %swap3A_273 = tpu.vector_load %arg24[%swap3A_272] {strides = array<i32>} : memref<528xi32, #tpu.memory_space<vmem>>, vector<16xi32>,
      tpu.vector_store %arg24[%swap3A_272], %gather3A_240 {strides = array<i32>} : memref<528xi32, #tpu.memory_space<vmem>>, vector<16xi32>,
      %mul3A_274 = arith.constant 16 : i32
      %mul3A_275 = arith.muli %scan3A_212, %mul3A_274 : i32
      %swap3A_276 = arith.index_cast %mul3A_275 : i32 to index
      %swap3A_277 = tpu.vector_load %arg25[%swap3A_276] {strides = array<i32>} : memref<528xi32, #tpu.memory_space<vmem>>, vector<16xi32>,
      tpu.vector_store %arg25[%swap3A_276], %gather3A_247 {strides = array<i32>} : memref<528xi32, #tpu.memory_space<vmem>>, vector<16xi32>,
      %mul3A_278 = arith.constant 64 : i32
      %mul3A_279 = vector.broadcast %mul3A_278 : i32 to vector<16xi32>
      %mul3A_280 = arith.muli %min3A_254, %mul3A_279 : vector<16xi32>
      %add3A_281 = arith.addi %mul3A_280, %min3A_261 : vector<16xi32>
      %mul3A_282 = arith.constant 16 : i32
      %mul3A_283 = arith.muli %scan3A_212, %mul3A_282 : i32
      %swap3A_284 = arith.index_cast %mul3A_283 : i32 to index
      %swap3A_285 = tpu.vector_load %arg26[%swap3A_284] {strides = array<i32>} : memref<528xi32, #tpu.memory_space<vmem>>, vector<16xi32>,
      tpu.vector_store %arg26[%swap3A_284], %add3A_281 {strides = array<i32>} : memref<528xi32, #tpu.memory_space<vmem>>, vector<16xi32>,
      %mul3A_286 = arith.constant 64 : i32
      %mul3A_287 = vector.broadcast %mul3A_286 : i32 to vector<16xi32>
      %mul3A_288 = arith.muli %gather3A_229, %mul3A_287 : vector<16xi32>
      %add3A_289 = arith.addi %mul3A_288, %gather3A_236 : vector<16xi32>
      %mul3A_290 = arith.constant 16 : i32
      %mul3A_291 = arith.muli %scan3A_212, %mul3A_290 : i32
      %swap3A_292 = arith.index_cast %mul3A_291 : i32 to index
      %swap3A_293 = tpu.vector_load %arg27[%swap3A_292] {strides = array<i32>} : memref<528xi32, #tpu.memory_space<vmem>>, vector<16xi32>,
      tpu.vector_store %arg27[%swap3A_292], %add3A_289 {strides = array<i32>} : memref<528xi32, #tpu.memory_space<vmem>>, vector<16xi32>,
    }
    %scan3A_72 = arith.constant 32 : i32
    %scan3A_73 = arith.constant 0 : i32
    %scan3A_74 = arith.constant 0 : i32
    %scan3A_75 = arith.constant 21 : i32
    %scan3A_76 = arith.addi %scan3A_74, %scan3A_75 : i32
    %scan3A_77 = arith.constant 1 : i32
    scf.for %scan3A_212 = %scan3A_74 to %scan3A_76 step %scan3A_77  : i32 {
      %mul3A_213 = arith.constant 6 : i32
      %mul3A_214 = arith.muli %scan3A_212, %mul3A_213 : i32
      %add3A_215 = arith.constant 0 : i32
      %add3A_216 = arith.addi %mul3A_214, %add3A_215 : i32
      %mul3A_217 = arith.constant 4 : i32
      %mul3A_218 = arith.muli %add3A_216, %mul3A_217 : i32
      %add3A_219 = arith.addi %mul3A_2, %mul3A_218 : i32
      %dma_wait3A_220 = arith.constant 0 : i32
      %dma_wait3A_221 = tpu.memref_slice %arg2[%add3A_219, %dma_wait3A_220] : memref<16384x4096xf32, #tpu.memory_space<hbm>> -> memref<4x4096xf32, #tpu.memory_space<hbm>>
      %dma_wait3A_222 = arith.constant 0 : i32
      %dma_wait3A_223 = tpu.memref_slice %arg2[%add3A_219, %dma_wait3A_222] : memref<16384x4096xf32, #tpu.memory_space<hbm>> -> memref<4x4096xf32, #tpu.memory_space<hbm>>
      tpu.wait_dma2 semaphore(%arg29 : memref<!tpu.dma_semaphore, #tpu.memory_space<semaphore_mem>>) src(%dma_wait3A_223 : memref<4x4096xf32, #tpu.memory_space<hbm>>) dst(%arg10 : memref<4x4096xf32, #tpu.memory_space<vmem>>)
      %mul3A_224 = arith.constant 4 : i32
      %mul3A_225 = arith.muli %add3A_216, %mul3A_224 : i32
      %get3A_226 = arith.index_cast %mul3A_225 : i32 to index
      %get3A_227 = tpu.vector_load %arg26[%get3A_226] {strides = array<i32>} : memref<528xi32, #tpu.memory_space<vmem>>, vector<16xi32>,
      %jit3A_228 = arith.constant 0 : i32
      %broadcast_in_dim3A_229 = vector.broadcast %jit3A_228 : i32 to vector<16xi32>
      %select_n3A_230 = arith.select %lt3A_66, %get3A_227, %broadcast_in_dim3A_229 : vector<16xi1>, vector<16xi32>
      %gather3A_231 = tpu.vector_load_idx %arg10[%select_n3A, %select_n3A_230] masked %lt3A_66 : memref<4x4096xf32, #tpu.memory_space<vmem>>[vector<16xi32>, vector<16xi32>], vector<16xf32>, vector<16xi1>
      %swap3A_232 = arith.index_cast %mul3A_225 : i32 to index
      %swap3A_233 = tpu.vector_load %arg28[%swap3A_232] {strides = array<i32>} : memref<528xf32, #tpu.memory_space<vmem>>, vector<16xf32>,
      tpu.vector_store %arg28[%swap3A_232], %gather3A_231 {strides = array<i32>} : memref<528xf32, #tpu.memory_space<vmem>>, vector<16xf32>,
      %eq3A_234 = arith.constant 1.000000e+00 : f32
      %eq3A_235 = vector.broadcast %eq3A_234 : f32 to vector<16xf32>
      %eq3A_236 = arith.cmpf oeq, %gather3A_231, %eq3A_235 : vector<16xf32>
      %get3A_237 = arith.index_cast %mul3A_225 : i32 to index
      %get3A_238 = tpu.vector_load %arg27[%get3A_237] {strides = array<i32>} : memref<528xi32, #tpu.memory_space<vmem>>, vector<16xi32>,
      %select_n3A_239 = arith.select %eq3A_236, %get3A_238, %select_n3A_230 : vector<16xi1>, vector<16xi32>
      tpu.vector_store_idx %arg10[%select_n3A, %select_n3A_239], %get3A_67 masked %lt3A_66 : memref<4x4096xf32, #tpu.memory_space<vmem>>[vector<16xi32>, vector<16xi32>], vector<16xf32>, vector<16xi1>
      %mul3A_240 = arith.constant 4 : i32
      %mul3A_241 = arith.muli %add3A_216, %mul3A_240 : i32
      %add3A_242 = arith.addi %mul3A_2, %mul3A_241 : i32
      %dma_start3A_243 = arith.constant 0 : i32
      %dma_start3A_244 = tpu.memref_slice %arg7[%add3A_242, %dma_start3A_243] : memref<16384x4096xf32, #tpu.memory_space<hbm>> -> memref<4x4096xf32, #tpu.memory_space<hbm>>
      %dma_start3A_245 = arith.constant 0 : i32
      %dma_start3A_246 = tpu.memref_slice %arg7[%add3A_242, %dma_start3A_245] : memref<16384x4096xf32, #tpu.memory_space<hbm>> -> memref<4x4096xf32, #tpu.memory_space<hbm>>
      tpu.enqueue_dma source(%arg10 : memref<4x4096xf32, #tpu.memory_space<vmem>>) target(%dma_start3A_246 : memref<4x4096xf32, #tpu.memory_space<hbm>>) target_semaphore(%arg35 : memref<!tpu.dma_semaphore, #tpu.memory_space<semaphore_mem>>)
      %sub3A = arith.constant 3 : i32
      %sub3A_247 = arith.subi %add3A_216, %sub3A : i32
      %max3A_248 = arith.constant 0 : i32
      %max3A_249 = arith.maxsi %sub3A_247, %max3A_248 : i32
      %ge3A = arith.constant 3 : i32
      %ge3A_250 = arith.cmpi sge, %add3A_216, %ge3A : i32
      %sub3A_251 = arith.constant 3 : i32
      %sub3A_252 = arith.subi %add3A_216, %sub3A_251 : i32
      %add3A_253 = arith.constant 6 : i32
      %add3A_254 = arith.addi %sub3A_252, %add3A_253 : i32
      %lt3A_255 = arith.constant 128 : i32
      %lt3A_256 = arith.cmpi slt, %add3A_254, %lt3A_255 : i32
      %and3A_257 = arith.andi %ge3A_250, %lt3A_256 : i1
      %convert_element_type3A_258 = arith.extui %and3A_257 : i1 to i32
      %cond3A_259 = arith.constant 0 : i32
      %cond3A_260 = arith.cmpi ne, %convert_element_type3A_258, %cond3A_259 : i32
      scf.if %cond3A_260 {
        %mul3A_511 = arith.constant 4 : i32
        %mul3A_512 = arith.muli %max3A_249, %mul3A_511 : i32
        %add3A_513 = arith.addi %mul3A_2, %mul3A_512 : i32
        %dma_wait3A_514 = arith.constant 0 : i32
        %dma_wait3A_515 = tpu.memref_slice %arg7[%add3A_513, %dma_wait3A_514] : memref<16384x4096xf32, #tpu.memory_space<hbm>> -> memref<4x4096xf32, #tpu.memory_space<hbm>>
        %dma_wait3A_516 = arith.constant 0 : i32
        %dma_wait3A_517 = tpu.memref_slice %arg7[%add3A_513, %dma_wait3A_516] : memref<16384x4096xf32, #tpu.memory_space<hbm>> -> memref<4x4096xf32, #tpu.memory_space<hbm>>
        tpu.wait_dma2 semaphore(%arg38 : memref<!tpu.dma_semaphore, #tpu.memory_space<semaphore_mem>>) src(%arg13 : memref<4x4096xf32, #tpu.memory_space<vmem>>) dst(%dma_wait3A_517 : memref<4x4096xf32, #tpu.memory_space<hbm>>)
        %add3A_518 = arith.constant 6 : i32
        %add3A_519 = arith.addi %max3A_249, %add3A_518 : i32
        %mul3A_520 = arith.constant 4 : i32
        %mul3A_521 = arith.muli %add3A_519, %mul3A_520 : i32
        %add3A_522 = arith.addi %mul3A_2, %mul3A_521 : i32
        %dma_start3A_523 = arith.constant 0 : i32
        %dma_start3A_524 = tpu.memref_slice %arg2[%add3A_522, %dma_start3A_523] : memref<16384x4096xf32, #tpu.memory_space<hbm>> -> memref<4x4096xf32, #tpu.memory_space<hbm>>
        %dma_start3A_525 = arith.constant 0 : i32
        %dma_start3A_526 = tpu.memref_slice %arg2[%add3A_522, %dma_start3A_525] : memref<16384x4096xf32, #tpu.memory_space<hbm>> -> memref<4x4096xf32, #tpu.memory_space<hbm>>
        tpu.enqueue_dma source(%dma_start3A_526 : memref<4x4096xf32, #tpu.memory_space<hbm>>) target(%arg13 : memref<4x4096xf32, #tpu.memory_space<vmem>>) target_semaphore(%arg32 : memref<!tpu.dma_semaphore, #tpu.memory_space<semaphore_mem>>)
      } else {
      }
      %mul3A_261 = arith.constant 6 : i32
      %mul3A_262 = arith.muli %scan3A_212, %mul3A_261 : i32
      %add3A_263 = arith.constant 1 : i32
      %add3A_264 = arith.addi %mul3A_262, %add3A_263 : i32
      %mul3A_265 = arith.constant 4 : i32
      %mul3A_266 = arith.muli %add3A_264, %mul3A_265 : i32
      %add3A_267 = arith.addi %mul3A_2, %mul3A_266 : i32
      %dma_wait3A_268 = arith.constant 0 : i32
      %dma_wait3A_269 = tpu.memref_slice %arg2[%add3A_267, %dma_wait3A_268] : memref<16384x4096xf32, #tpu.memory_space<hbm>> -> memref<4x4096xf32, #tpu.memory_space<hbm>>
      %dma_wait3A_270 = arith.constant 0 : i32
      %dma_wait3A_271 = tpu.memref_slice %arg2[%add3A_267, %dma_wait3A_270] : memref<16384x4096xf32, #tpu.memory_space<hbm>> -> memref<4x4096xf32, #tpu.memory_space<hbm>>
      tpu.wait_dma2 semaphore(%arg30 : memref<!tpu.dma_semaphore, #tpu.memory_space<semaphore_mem>>) src(%dma_wait3A_271 : memref<4x4096xf32, #tpu.memory_space<hbm>>) dst(%arg11 : memref<4x4096xf32, #tpu.memory_space<vmem>>)
      %mul3A_272 = arith.constant 4 : i32
      %mul3A_273 = arith.muli %add3A_264, %mul3A_272 : i32
      %get3A_274 = arith.index_cast %mul3A_273 : i32 to index
      %get3A_275 = tpu.vector_load %arg26[%get3A_274] {strides = array<i32>} : memref<528xi32, #tpu.memory_space<vmem>>, vector<16xi32>,
      %jit3A_276 = arith.constant 0 : i32
      %broadcast_in_dim3A_277 = vector.broadcast %jit3A_276 : i32 to vector<16xi32>
      %select_n3A_278 = arith.select %lt3A_66, %get3A_275, %broadcast_in_dim3A_277 : vector<16xi1>, vector<16xi32>
      %gather3A_279 = tpu.vector_load_idx %arg11[%select_n3A, %select_n3A_278] masked %lt3A_66 : memref<4x4096xf32, #tpu.memory_space<vmem>>[vector<16xi32>, vector<16xi32>], vector<16xf32>, vector<16xi1>
      %swap3A_280 = arith.index_cast %mul3A_273 : i32 to index
      %swap3A_281 = tpu.vector_load %arg28[%swap3A_280] {strides = array<i32>} : memref<528xf32, #tpu.memory_space<vmem>>, vector<16xf32>,
      tpu.vector_store %arg28[%swap3A_280], %gather3A_279 {strides = array<i32>} : memref<528xf32, #tpu.memory_space<vmem>>, vector<16xf32>,
      %eq3A_282 = arith.constant 1.000000e+00 : f32
      %eq3A_283 = vector.broadcast %eq3A_282 : f32 to vector<16xf32>
      %eq3A_284 = arith.cmpf oeq, %gather3A_279, %eq3A_283 : vector<16xf32>
      %get3A_285 = arith.index_cast %mul3A_273 : i32 to index
      %get3A_286 = tpu.vector_load %arg27[%get3A_285] {strides = array<i32>} : memref<528xi32, #tpu.memory_space<vmem>>, vector<16xi32>,
      %select_n3A_287 = arith.select %eq3A_284, %get3A_286, %select_n3A_278 : vector<16xi1>, vector<16xi32>
      tpu.vector_store_idx %arg11[%select_n3A, %select_n3A_287], %get3A_67 masked %lt3A_66 : memref<4x4096xf32, #tpu.memory_space<vmem>>[vector<16xi32>, vector<16xi32>], vector<16xf32>, vector<16xi1>
      %mul3A_288 = arith.constant 4 : i32
      %mul3A_289 = arith.muli %add3A_264, %mul3A_288 : i32
      %add3A_290 = arith.addi %mul3A_2, %mul3A_289 : i32
      %dma_start3A_291 = arith.constant 0 : i32
      %dma_start3A_292 = tpu.memref_slice %arg7[%add3A_290, %dma_start3A_291] : memref<16384x4096xf32, #tpu.memory_space<hbm>> -> memref<4x4096xf32, #tpu.memory_space<hbm>>
      %dma_start3A_293 = arith.constant 0 : i32
      %dma_start3A_294 = tpu.memref_slice %arg7[%add3A_290, %dma_start3A_293] : memref<16384x4096xf32, #tpu.memory_space<hbm>> -> memref<4x4096xf32, #tpu.memory_space<hbm>>
      tpu.enqueue_dma source(%arg11 : memref<4x4096xf32, #tpu.memory_space<vmem>>) target(%dma_start3A_294 : memref<4x4096xf32, #tpu.memory_space<hbm>>) target_semaphore(%arg36 : memref<!tpu.dma_semaphore, #tpu.memory_space<semaphore_mem>>)
      %sub3A_295 = arith.constant 3 : i32
      %sub3A_296 = arith.subi %add3A_264, %sub3A_295 : i32
      %max3A_297 = arith.constant 0 : i32
      %max3A_298 = arith.maxsi %sub3A_296, %max3A_297 : i32
      %ge3A_299 = arith.constant 3 : i32
      %ge3A_300 = arith.cmpi sge, %add3A_264, %ge3A_299 : i32
      %sub3A_301 = arith.constant 3 : i32
      %sub3A_302 = arith.subi %add3A_264, %sub3A_301 : i32
      %add3A_303 = arith.constant 6 : i32
      %add3A_304 = arith.addi %sub3A_302, %add3A_303 : i32
      %lt3A_305 = arith.constant 128 : i32
      %lt3A_306 = arith.cmpi slt, %add3A_304, %lt3A_305 : i32
      %and3A_307 = arith.andi %ge3A_300, %lt3A_306 : i1
      %convert_element_type3A_308 = arith.extui %and3A_307 : i1 to i32
      %cond3A_309 = arith.constant 0 : i32
      %cond3A_310 = arith.cmpi ne, %convert_element_type3A_308, %cond3A_309 : i32
      scf.if %cond3A_310 {
        %mul3A_511 = arith.constant 4 : i32
        %mul3A_512 = arith.muli %max3A_298, %mul3A_511 : i32
        %add3A_513 = arith.addi %mul3A_2, %mul3A_512 : i32
        %dma_wait3A_514 = arith.constant 0 : i32
        %dma_wait3A_515 = tpu.memref_slice %arg7[%add3A_513, %dma_wait3A_514] : memref<16384x4096xf32, #tpu.memory_space<hbm>> -> memref<4x4096xf32, #tpu.memory_space<hbm>>
        %dma_wait3A_516 = arith.constant 0 : i32
        %dma_wait3A_517 = tpu.memref_slice %arg7[%add3A_513, %dma_wait3A_516] : memref<16384x4096xf32, #tpu.memory_space<hbm>> -> memref<4x4096xf32, #tpu.memory_space<hbm>>
        tpu.wait_dma2 semaphore(%arg39 : memref<!tpu.dma_semaphore, #tpu.memory_space<semaphore_mem>>) src(%arg14 : memref<4x4096xf32, #tpu.memory_space<vmem>>) dst(%dma_wait3A_517 : memref<4x4096xf32, #tpu.memory_space<hbm>>)
        %add3A_518 = arith.constant 6 : i32
        %add3A_519 = arith.addi %max3A_298, %add3A_518 : i32
        %mul3A_520 = arith.constant 4 : i32
        %mul3A_521 = arith.muli %add3A_519, %mul3A_520 : i32
        %add3A_522 = arith.addi %mul3A_2, %mul3A_521 : i32
        %dma_start3A_523 = arith.constant 0 : i32
        %dma_start3A_524 = tpu.memref_slice %arg2[%add3A_522, %dma_start3A_523] : memref<16384x4096xf32, #tpu.memory_space<hbm>> -> memref<4x4096xf32, #tpu.memory_space<hbm>>
        %dma_start3A_525 = arith.constant 0 : i32
        %dma_start3A_526 = tpu.memref_slice %arg2[%add3A_522, %dma_start3A_525] : memref<16384x4096xf32, #tpu.memory_space<hbm>> -> memref<4x4096xf32, #tpu.memory_space<hbm>>
        tpu.enqueue_dma source(%dma_start3A_526 : memref<4x4096xf32, #tpu.memory_space<hbm>>) target(%arg14 : memref<4x4096xf32, #tpu.memory_space<vmem>>) target_semaphore(%arg33 : memref<!tpu.dma_semaphore, #tpu.memory_space<semaphore_mem>>)
      } else {
      }
      %mul3A_311 = arith.constant 6 : i32
      %mul3A_312 = arith.muli %scan3A_212, %mul3A_311 : i32
      %add3A_313 = arith.constant 2 : i32
      %add3A_314 = arith.addi %mul3A_312, %add3A_313 : i32
      %mul3A_315 = arith.constant 4 : i32
      %mul3A_316 = arith.muli %add3A_314, %mul3A_315 : i32
      %add3A_317 = arith.addi %mul3A_2, %mul3A_316 : i32
      %dma_wait3A_318 = arith.constant 0 : i32
      %dma_wait3A_319 = tpu.memref_slice %arg2[%add3A_317, %dma_wait3A_318] : memref<16384x4096xf32, #tpu.memory_space<hbm>> -> memref<4x4096xf32, #tpu.memory_space<hbm>>
      %dma_wait3A_320 = arith.constant 0 : i32
      %dma_wait3A_321 = tpu.memref_slice %arg2[%add3A_317, %dma_wait3A_320] : memref<16384x4096xf32, #tpu.memory_space<hbm>> -> memref<4x4096xf32, #tpu.memory_space<hbm>>
      tpu.wait_dma2 semaphore(%arg31 : memref<!tpu.dma_semaphore, #tpu.memory_space<semaphore_mem>>) src(%dma_wait3A_321 : memref<4x4096xf32, #tpu.memory_space<hbm>>) dst(%arg12 : memref<4x4096xf32, #tpu.memory_space<vmem>>)
      %mul3A_322 = arith.constant 4 : i32
      %mul3A_323 = arith.muli %add3A_314, %mul3A_322 : i32
      %get3A_324 = arith.index_cast %mul3A_323 : i32 to index
      %get3A_325 = tpu.vector_load %arg26[%get3A_324] {strides = array<i32>} : memref<528xi32, #tpu.memory_space<vmem>>, vector<16xi32>,
      %jit3A_326 = arith.constant 0 : i32
      %broadcast_in_dim3A_327 = vector.broadcast %jit3A_326 : i32 to vector<16xi32>
      %select_n3A_328 = arith.select %lt3A_66, %get3A_325, %broadcast_in_dim3A_327 : vector<16xi1>, vector<16xi32>
      %gather3A_329 = tpu.vector_load_idx %arg12[%select_n3A, %select_n3A_328] masked %lt3A_66 : memref<4x4096xf32, #tpu.memory_space<vmem>>[vector<16xi32>, vector<16xi32>], vector<16xf32>, vector<16xi1>
      %swap3A_330 = arith.index_cast %mul3A_323 : i32 to index
      %swap3A_331 = tpu.vector_load %arg28[%swap3A_330] {strides = array<i32>} : memref<528xf32, #tpu.memory_space<vmem>>, vector<16xf32>,
      tpu.vector_store %arg28[%swap3A_330], %gather3A_329 {strides = array<i32>} : memref<528xf32, #tpu.memory_space<vmem>>, vector<16xf32>,
      %eq3A_332 = arith.constant 1.000000e+00 : f32
      %eq3A_333 = vector.broadcast %eq3A_332 : f32 to vector<16xf32>
      %eq3A_334 = arith.cmpf oeq, %gather3A_329, %eq3A_333 : vector<16xf32>
      %get3A_335 = arith.index_cast %mul3A_323 : i32 to index
      %get3A_336 = tpu.vector_load %arg27[%get3A_335] {strides = array<i32>} : memref<528xi32, #tpu.memory_space<vmem>>, vector<16xi32>,
      %select_n3A_337 = arith.select %eq3A_334, %get3A_336, %select_n3A_328 : vector<16xi1>, vector<16xi32>
      tpu.vector_store_idx %arg12[%select_n3A, %select_n3A_337], %get3A_67 masked %lt3A_66 : memref<4x4096xf32, #tpu.memory_space<vmem>>[vector<16xi32>, vector<16xi32>], vector<16xf32>, vector<16xi1>
      %mul3A_338 = arith.constant 4 : i32
      %mul3A_339 = arith.muli %add3A_314, %mul3A_338 : i32
      %add3A_340 = arith.addi %mul3A_2, %mul3A_339 : i32
      %dma_start3A_341 = arith.constant 0 : i32
      %dma_start3A_342 = tpu.memref_slice %arg7[%add3A_340, %dma_start3A_341] : memref<16384x4096xf32, #tpu.memory_space<hbm>> -> memref<4x4096xf32, #tpu.memory_space<hbm>>
      %dma_start3A_343 = arith.constant 0 : i32
      %dma_start3A_344 = tpu.memref_slice %arg7[%add3A_340, %dma_start3A_343] : memref<16384x4096xf32, #tpu.memory_space<hbm>> -> memref<4x4096xf32, #tpu.memory_space<hbm>>
      tpu.enqueue_dma source(%arg12 : memref<4x4096xf32, #tpu.memory_space<vmem>>) target(%dma_start3A_344 : memref<4x4096xf32, #tpu.memory_space<hbm>>) target_semaphore(%arg37 : memref<!tpu.dma_semaphore, #tpu.memory_space<semaphore_mem>>)
      %sub3A_345 = arith.constant 3 : i32
      %sub3A_346 = arith.subi %add3A_314, %sub3A_345 : i32
      %max3A_347 = arith.constant 0 : i32
      %max3A_348 = arith.maxsi %sub3A_346, %max3A_347 : i32
      %ge3A_349 = arith.constant 3 : i32
      %ge3A_350 = arith.cmpi sge, %add3A_314, %ge3A_349 : i32
      %sub3A_351 = arith.constant 3 : i32
      %sub3A_352 = arith.subi %add3A_314, %sub3A_351 : i32
      %add3A_353 = arith.constant 6 : i32
      %add3A_354 = arith.addi %sub3A_352, %add3A_353 : i32
      %lt3A_355 = arith.constant 128 : i32
      %lt3A_356 = arith.cmpi slt, %add3A_354, %lt3A_355 : i32
      %and3A_357 = arith.andi %ge3A_350, %lt3A_356 : i1
      %convert_element_type3A_358 = arith.extui %and3A_357 : i1 to i32
      %cond3A_359 = arith.constant 0 : i32
      %cond3A_360 = arith.cmpi ne, %convert_element_type3A_358, %cond3A_359 : i32
      scf.if %cond3A_360 {
        %mul3A_511 = arith.constant 4 : i32
        %mul3A_512 = arith.muli %max3A_348, %mul3A_511 : i32
        %add3A_513 = arith.addi %mul3A_2, %mul3A_512 : i32
        %dma_wait3A_514 = arith.constant 0 : i32
        %dma_wait3A_515 = tpu.memref_slice %arg7[%add3A_513, %dma_wait3A_514] : memref<16384x4096xf32, #tpu.memory_space<hbm>> -> memref<4x4096xf32, #tpu.memory_space<hbm>>
        %dma_wait3A_516 = arith.constant 0 : i32
        %dma_wait3A_517 = tpu.memref_slice %arg7[%add3A_513, %dma_wait3A_516] : memref<16384x4096xf32, #tpu.memory_space<hbm>> -> memref<4x4096xf32, #tpu.memory_space<hbm>>
        tpu.wait_dma2 semaphore(%arg40 : memref<!tpu.dma_semaphore, #tpu.memory_space<semaphore_mem>>) src(%arg15 : memref<4x4096xf32, #tpu.memory_space<vmem>>) dst(%dma_wait3A_517 : memref<4x4096xf32, #tpu.memory_space<hbm>>)
        %add3A_518 = arith.constant 6 : i32
        %add3A_519 = arith.addi %max3A_348, %add3A_518 : i32
        %mul3A_520 = arith.constant 4 : i32
        %mul3A_521 = arith.muli %add3A_519, %mul3A_520 : i32
        %add3A_522 = arith.addi %mul3A_2, %mul3A_521 : i32
        %dma_start3A_523 = arith.constant 0 : i32
        %dma_start3A_524 = tpu.memref_slice %arg2[%add3A_522, %dma_start3A_523] : memref<16384x4096xf32, #tpu.memory_space<hbm>> -> memref<4x4096xf32, #tpu.memory_space<hbm>>
        %dma_start3A_525 = arith.constant 0 : i32
        %dma_start3A_526 = tpu.memref_slice %arg2[%add3A_522, %dma_start3A_525] : memref<16384x4096xf32, #tpu.memory_space<hbm>> -> memref<4x4096xf32, #tpu.memory_space<hbm>>
        tpu.enqueue_dma source(%dma_start3A_526 : memref<4x4096xf32, #tpu.memory_space<hbm>>) target(%arg15 : memref<4x4096xf32, #tpu.memory_space<vmem>>) target_semaphore(%arg34 : memref<!tpu.dma_semaphore, #tpu.memory_space<semaphore_mem>>)
      } else {
      }
      %mul3A_361 = arith.constant 6 : i32
      %mul3A_362 = arith.muli %scan3A_212, %mul3A_361 : i32
      %add3A_363 = arith.constant 3 : i32
      %add3A_364 = arith.addi %mul3A_362, %add3A_363 : i32
      %mul3A_365 = arith.constant 4 : i32
      %mul3A_366 = arith.muli %add3A_364, %mul3A_365 : i32
      %add3A_367 = arith.addi %mul3A_2, %mul3A_366 : i32
      %dma_wait3A_368 = arith.constant 0 : i32
      %dma_wait3A_369 = tpu.memref_slice %arg2[%add3A_367, %dma_wait3A_368] : memref<16384x4096xf32, #tpu.memory_space<hbm>> -> memref<4x4096xf32, #tpu.memory_space<hbm>>
      %dma_wait3A_370 = arith.constant 0 : i32
      %dma_wait3A_371 = tpu.memref_slice %arg2[%add3A_367, %dma_wait3A_370] : memref<16384x4096xf32, #tpu.memory_space<hbm>> -> memref<4x4096xf32, #tpu.memory_space<hbm>>
      tpu.wait_dma2 semaphore(%arg32 : memref<!tpu.dma_semaphore, #tpu.memory_space<semaphore_mem>>) src(%dma_wait3A_371 : memref<4x4096xf32, #tpu.memory_space<hbm>>) dst(%arg13 : memref<4x4096xf32, #tpu.memory_space<vmem>>)
      %mul3A_372 = arith.constant 4 : i32
      %mul3A_373 = arith.muli %add3A_364, %mul3A_372 : i32
      %get3A_374 = arith.index_cast %mul3A_373 : i32 to index
      %get3A_375 = tpu.vector_load %arg26[%get3A_374] {strides = array<i32>} : memref<528xi32, #tpu.memory_space<vmem>>, vector<16xi32>,
      %jit3A_376 = arith.constant 0 : i32
      %broadcast_in_dim3A_377 = vector.broadcast %jit3A_376 : i32 to vector<16xi32>
      %select_n3A_378 = arith.select %lt3A_66, %get3A_375, %broadcast_in_dim3A_377 : vector<16xi1>, vector<16xi32>
      %gather3A_379 = tpu.vector_load_idx %arg13[%select_n3A, %select_n3A_378] masked %lt3A_66 : memref<4x4096xf32, #tpu.memory_space<vmem>>[vector<16xi32>, vector<16xi32>], vector<16xf32>, vector<16xi1>
      %swap3A_380 = arith.index_cast %mul3A_373 : i32 to index
      %swap3A_381 = tpu.vector_load %arg28[%swap3A_380] {strides = array<i32>} : memref<528xf32, #tpu.memory_space<vmem>>, vector<16xf32>,
      tpu.vector_store %arg28[%swap3A_380], %gather3A_379 {strides = array<i32>} : memref<528xf32, #tpu.memory_space<vmem>>, vector<16xf32>,
      %eq3A_382 = arith.constant 1.000000e+00 : f32
      %eq3A_383 = vector.broadcast %eq3A_382 : f32 to vector<16xf32>
      %eq3A_384 = arith.cmpf oeq, %gather3A_379, %eq3A_383 : vector<16xf32>
      %get3A_385 = arith.index_cast %mul3A_373 : i32 to index
      %get3A_386 = tpu.vector_load %arg27[%get3A_385] {strides = array<i32>} : memref<528xi32, #tpu.memory_space<vmem>>, vector<16xi32>,
      %select_n3A_387 = arith.select %eq3A_384, %get3A_386, %select_n3A_378 : vector<16xi1>, vector<16xi32>
      tpu.vector_store_idx %arg13[%select_n3A, %select_n3A_387], %get3A_67 masked %lt3A_66 : memref<4x4096xf32, #tpu.memory_space<vmem>>[vector<16xi32>, vector<16xi32>], vector<16xf32>, vector<16xi1>
      %mul3A_388 = arith.constant 4 : i32
      %mul3A_389 = arith.muli %add3A_364, %mul3A_388 : i32
      %add3A_390 = arith.addi %mul3A_2, %mul3A_389 : i32
      %dma_start3A_391 = arith.constant 0 : i32
      %dma_start3A_392 = tpu.memref_slice %arg7[%add3A_390, %dma_start3A_391] : memref<16384x4096xf32, #tpu.memory_space<hbm>> -> memref<4x4096xf32, #tpu.memory_space<hbm>>
      %dma_start3A_393 = arith.constant 0 : i32
      %dma_start3A_394 = tpu.memref_slice %arg7[%add3A_390, %dma_start3A_393] : memref<16384x4096xf32, #tpu.memory_space<hbm>> -> memref<4x4096xf32, #tpu.memory_space<hbm>>
      tpu.enqueue_dma source(%arg13 : memref<4x4096xf32, #tpu.memory_space<vmem>>) target(%dma_start3A_394 : memref<4x4096xf32, #tpu.memory_space<hbm>>) target_semaphore(%arg38 : memref<!tpu.dma_semaphore, #tpu.memory_space<semaphore_mem>>)
      %sub3A_395 = arith.constant 3 : i32
      %sub3A_396 = arith.subi %add3A_364, %sub3A_395 : i32
      %max3A_397 = arith.constant 0 : i32
      %max3A_398 = arith.maxsi %sub3A_396, %max3A_397 : i32
      %ge3A_399 = arith.constant 3 : i32
      %ge3A_400 = arith.cmpi sge, %add3A_364, %ge3A_399 : i32
      %sub3A_401 = arith.constant 3 : i32
      %sub3A_402 = arith.subi %add3A_364, %sub3A_401 : i32
      %add3A_403 = arith.constant 6 : i32
      %add3A_404 = arith.addi %sub3A_402, %add3A_403 : i32
      %lt3A_405 = arith.constant 128 : i32
      %lt3A_406 = arith.cmpi slt, %add3A_404, %lt3A_405 : i32
      %and3A_407 = arith.andi %ge3A_400, %lt3A_406 : i1
      %convert_element_type3A_408 = arith.extui %and3A_407 : i1 to i32
      %cond3A_409 = arith.constant 0 : i32
      %cond3A_410 = arith.cmpi ne, %convert_element_type3A_408, %cond3A_409 : i32
      scf.if %cond3A_410 {
        %mul3A_511 = arith.constant 4 : i32
        %mul3A_512 = arith.muli %max3A_398, %mul3A_511 : i32
        %add3A_513 = arith.addi %mul3A_2, %mul3A_512 : i32
        %dma_wait3A_514 = arith.constant 0 : i32
        %dma_wait3A_515 = tpu.memref_slice %arg7[%add3A_513, %dma_wait3A_514] : memref<16384x4096xf32, #tpu.memory_space<hbm>> -> memref<4x4096xf32, #tpu.memory_space<hbm>>
        %dma_wait3A_516 = arith.constant 0 : i32
        %dma_wait3A_517 = tpu.memref_slice %arg7[%add3A_513, %dma_wait3A_516] : memref<16384x4096xf32, #tpu.memory_space<hbm>> -> memref<4x4096xf32, #tpu.memory_space<hbm>>
        tpu.wait_dma2 semaphore(%arg35 : memref<!tpu.dma_semaphore, #tpu.memory_space<semaphore_mem>>) src(%arg10 : memref<4x4096xf32, #tpu.memory_space<vmem>>) dst(%dma_wait3A_517 : memref<4x4096xf32, #tpu.memory_space<hbm>>)
        %add3A_518 = arith.constant 6 : i32
        %add3A_519 = arith.addi %max3A_398, %add3A_518 : i32
        %mul3A_520 = arith.constant 4 : i32
        %mul3A_521 = arith.muli %add3A_519, %mul3A_520 : i32
        %add3A_522 = arith.addi %mul3A_2, %mul3A_521 : i32
        %dma_start3A_523 = arith.constant 0 : i32
        %dma_start3A_524 = tpu.memref_slice %arg2[%add3A_522, %dma_start3A_523] : memref<16384x4096xf32, #tpu.memory_space<hbm>> -> memref<4x4096xf32, #tpu.memory_space<hbm>>
        %dma_start3A_525 = arith.constant 0 : i32
        %dma_start3A_526 = tpu.memref_slice %arg2[%add3A_522, %dma_start3A_525] : memref<16384x4096xf32, #tpu.memory_space<hbm>> -> memref<4x4096xf32, #tpu.memory_space<hbm>>
        tpu.enqueue_dma source(%dma_start3A_526 : memref<4x4096xf32, #tpu.memory_space<hbm>>) target(%arg10 : memref<4x4096xf32, #tpu.memory_space<vmem>>) target_semaphore(%arg29 : memref<!tpu.dma_semaphore, #tpu.memory_space<semaphore_mem>>)
      } else {
      }
      %mul3A_411 = arith.constant 6 : i32
      %mul3A_412 = arith.muli %scan3A_212, %mul3A_411 : i32
      %add3A_413 = arith.constant 4 : i32
      %add3A_414 = arith.addi %mul3A_412, %add3A_413 : i32
      %mul3A_415 = arith.constant 4 : i32
      %mul3A_416 = arith.muli %add3A_414, %mul3A_415 : i32
      %add3A_417 = arith.addi %mul3A_2, %mul3A_416 : i32
      %dma_wait3A_418 = arith.constant 0 : i32
      %dma_wait3A_419 = tpu.memref_slice %arg2[%add3A_417, %dma_wait3A_418] : memref<16384x4096xf32, #tpu.memory_space<hbm>> -> memref<4x4096xf32, #tpu.memory_space<hbm>>
      %dma_wait3A_420 = arith.constant 0 : i32
      %dma_wait3A_421 = tpu.memref_slice %arg2[%add3A_417, %dma_wait3A_420] : memref<16384x4096xf32, #tpu.memory_space<hbm>> -> memref<4x4096xf32, #tpu.memory_space<hbm>>
      tpu.wait_dma2 semaphore(%arg33 : memref<!tpu.dma_semaphore, #tpu.memory_space<semaphore_mem>>) src(%dma_wait3A_421 : memref<4x4096xf32, #tpu.memory_space<hbm>>) dst(%arg14 : memref<4x4096xf32, #tpu.memory_space<vmem>>)
      %mul3A_422 = arith.constant 4 : i32
      %mul3A_423 = arith.muli %add3A_414, %mul3A_422 : i32
      %get3A_424 = arith.index_cast %mul3A_423 : i32 to index
      %get3A_425 = tpu.vector_load %arg26[%get3A_424] {strides = array<i32>} : memref<528xi32, #tpu.memory_space<vmem>>, vector<16xi32>,
      %jit3A_426 = arith.constant 0 : i32
      %broadcast_in_dim3A_427 = vector.broadcast %jit3A_426 : i32 to vector<16xi32>
      %select_n3A_428 = arith.select %lt3A_66, %get3A_425, %broadcast_in_dim3A_427 : vector<16xi1>, vector<16xi32>
      %gather3A_429 = tpu.vector_load_idx %arg14[%select_n3A, %select_n3A_428] masked %lt3A_66 : memref<4x4096xf32, #tpu.memory_space<vmem>>[vector<16xi32>, vector<16xi32>], vector<16xf32>, vector<16xi1>
      %swap3A_430 = arith.index_cast %mul3A_423 : i32 to index
      %swap3A_431 = tpu.vector_load %arg28[%swap3A_430] {strides = array<i32>} : memref<528xf32, #tpu.memory_space<vmem>>, vector<16xf32>,
      tpu.vector_store %arg28[%swap3A_430], %gather3A_429 {strides = array<i32>} : memref<528xf32, #tpu.memory_space<vmem>>, vector<16xf32>,
      %eq3A_432 = arith.constant 1.000000e+00 : f32
      %eq3A_433 = vector.broadcast %eq3A_432 : f32 to vector<16xf32>
      %eq3A_434 = arith.cmpf oeq, %gather3A_429, %eq3A_433 : vector<16xf32>
      %get3A_435 = arith.index_cast %mul3A_423 : i32 to index
      %get3A_436 = tpu.vector_load %arg27[%get3A_435] {strides = array<i32>} : memref<528xi32, #tpu.memory_space<vmem>>, vector<16xi32>,
      %select_n3A_437 = arith.select %eq3A_434, %get3A_436, %select_n3A_428 : vector<16xi1>, vector<16xi32>
      tpu.vector_store_idx %arg14[%select_n3A, %select_n3A_437], %get3A_67 masked %lt3A_66 : memref<4x4096xf32, #tpu.memory_space<vmem>>[vector<16xi32>, vector<16xi32>], vector<16xf32>, vector<16xi1>
      %mul3A_438 = arith.constant 4 : i32
      %mul3A_439 = arith.muli %add3A_414, %mul3A_438 : i32
      %add3A_440 = arith.addi %mul3A_2, %mul3A_439 : i32
      %dma_start3A_441 = arith.constant 0 : i32
      %dma_start3A_442 = tpu.memref_slice %arg7[%add3A_440, %dma_start3A_441] : memref<16384x4096xf32, #tpu.memory_space<hbm>> -> memref<4x4096xf32, #tpu.memory_space<hbm>>
      %dma_start3A_443 = arith.constant 0 : i32
      %dma_start3A_444 = tpu.memref_slice %arg7[%add3A_440, %dma_start3A_443] : memref<16384x4096xf32, #tpu.memory_space<hbm>> -> memref<4x4096xf32, #tpu.memory_space<hbm>>
      tpu.enqueue_dma source(%arg14 : memref<4x4096xf32, #tpu.memory_space<vmem>>) target(%dma_start3A_444 : memref<4x4096xf32, #tpu.memory_space<hbm>>) target_semaphore(%arg39 : memref<!tpu.dma_semaphore, #tpu.memory_space<semaphore_mem>>)
      %sub3A_445 = arith.constant 3 : i32
      %sub3A_446 = arith.subi %add3A_414, %sub3A_445 : i32
      %max3A_447 = arith.constant 0 : i32
      %max3A_448 = arith.maxsi %sub3A_446, %max3A_447 : i32
      %ge3A_449 = arith.constant 3 : i32
      %ge3A_450 = arith.cmpi sge, %add3A_414, %ge3A_449 : i32
      %sub3A_451 = arith.constant 3 : i32
      %sub3A_452 = arith.subi %add3A_414, %sub3A_451 : i32
      %add3A_453 = arith.constant 6 : i32
      %add3A_454 = arith.addi %sub3A_452, %add3A_453 : i32
      %lt3A_455 = arith.constant 128 : i32
      %lt3A_456 = arith.cmpi slt, %add3A_454, %lt3A_455 : i32
      %and3A_457 = arith.andi %ge3A_450, %lt3A_456 : i1
      %convert_element_type3A_458 = arith.extui %and3A_457 : i1 to i32
      %cond3A_459 = arith.constant 0 : i32
      %cond3A_460 = arith.cmpi ne, %convert_element_type3A_458, %cond3A_459 : i32
      scf.if %cond3A_460 {
        %mul3A_511 = arith.constant 4 : i32
        %mul3A_512 = arith.muli %max3A_448, %mul3A_511 : i32
        %add3A_513 = arith.addi %mul3A_2, %mul3A_512 : i32
        %dma_wait3A_514 = arith.constant 0 : i32
        %dma_wait3A_515 = tpu.memref_slice %arg7[%add3A_513, %dma_wait3A_514] : memref<16384x4096xf32, #tpu.memory_space<hbm>> -> memref<4x4096xf32, #tpu.memory_space<hbm>>
        %dma_wait3A_516 = arith.constant 0 : i32
        %dma_wait3A_517 = tpu.memref_slice %arg7[%add3A_513, %dma_wait3A_516] : memref<16384x4096xf32, #tpu.memory_space<hbm>> -> memref<4x4096xf32, #tpu.memory_space<hbm>>
        tpu.wait_dma2 semaphore(%arg36 : memref<!tpu.dma_semaphore, #tpu.memory_space<semaphore_mem>>) src(%arg11 : memref<4x4096xf32, #tpu.memory_space<vmem>>) dst(%dma_wait3A_517 : memref<4x4096xf32, #tpu.memory_space<hbm>>)
        %add3A_518 = arith.constant 6 : i32
        %add3A_519 = arith.addi %max3A_448, %add3A_518 : i32
        %mul3A_520 = arith.constant 4 : i32
        %mul3A_521 = arith.muli %add3A_519, %mul3A_520 : i32
        %add3A_522 = arith.addi %mul3A_2, %mul3A_521 : i32
        %dma_start3A_523 = arith.constant 0 : i32
        %dma_start3A_524 = tpu.memref_slice %arg2[%add3A_522, %dma_start3A_523] : memref<16384x4096xf32, #tpu.memory_space<hbm>> -> memref<4x4096xf32, #tpu.memory_space<hbm>>
        %dma_start3A_525 = arith.constant 0 : i32
        %dma_start3A_526 = tpu.memref_slice %arg2[%add3A_522, %dma_start3A_525] : memref<16384x4096xf32, #tpu.memory_space<hbm>> -> memref<4x4096xf32, #tpu.memory_space<hbm>>
        tpu.enqueue_dma source(%dma_start3A_526 : memref<4x4096xf32, #tpu.memory_space<hbm>>) target(%arg11 : memref<4x4096xf32, #tpu.memory_space<vmem>>) target_semaphore(%arg30 : memref<!tpu.dma_semaphore, #tpu.memory_space<semaphore_mem>>)
      } else {
      }
      %mul3A_461 = arith.constant 6 : i32
      %mul3A_462 = arith.muli %scan3A_212, %mul3A_461 : i32
      %add3A_463 = arith.constant 5 : i32
      %add3A_464 = arith.addi %mul3A_462, %add3A_463 : i32
      %mul3A_465 = arith.constant 4 : i32
      %mul3A_466 = arith.muli %add3A_464, %mul3A_465 : i32
      %add3A_467 = arith.addi %mul3A_2, %mul3A_466 : i32
      %dma_wait3A_468 = arith.constant 0 : i32
      %dma_wait3A_469 = tpu.memref_slice %arg2[%add3A_467, %dma_wait3A_468] : memref<16384x4096xf32, #tpu.memory_space<hbm>> -> memref<4x4096xf32, #tpu.memory_space<hbm>>
      %dma_wait3A_470 = arith.constant 0 : i32
      %dma_wait3A_471 = tpu.memref_slice %arg2[%add3A_467, %dma_wait3A_470] : memref<16384x4096xf32, #tpu.memory_space<hbm>> -> memref<4x4096xf32, #tpu.memory_space<hbm>>
      tpu.wait_dma2 semaphore(%arg34 : memref<!tpu.dma_semaphore, #tpu.memory_space<semaphore_mem>>) src(%dma_wait3A_471 : memref<4x4096xf32, #tpu.memory_space<hbm>>) dst(%arg15 : memref<4x4096xf32, #tpu.memory_space<vmem>>)
      %mul3A_472 = arith.constant 4 : i32
      %mul3A_473 = arith.muli %add3A_464, %mul3A_472 : i32
      %get3A_474 = arith.index_cast %mul3A_473 : i32 to index
      %get3A_475 = tpu.vector_load %arg26[%get3A_474] {strides = array<i32>} : memref<528xi32, #tpu.memory_space<vmem>>, vector<16xi32>,
      %jit3A_476 = arith.constant 0 : i32
      %broadcast_in_dim3A_477 = vector.broadcast %jit3A_476 : i32 to vector<16xi32>
      %select_n3A_478 = arith.select %lt3A_66, %get3A_475, %broadcast_in_dim3A_477 : vector<16xi1>, vector<16xi32>
      %gather3A_479 = tpu.vector_load_idx %arg15[%select_n3A, %select_n3A_478] masked %lt3A_66 : memref<4x4096xf32, #tpu.memory_space<vmem>>[vector<16xi32>, vector<16xi32>], vector<16xf32>, vector<16xi1>
      %swap3A_480 = arith.index_cast %mul3A_473 : i32 to index
      %swap3A_481 = tpu.vector_load %arg28[%swap3A_480] {strides = array<i32>} : memref<528xf32, #tpu.memory_space<vmem>>, vector<16xf32>,
      tpu.vector_store %arg28[%swap3A_480], %gather3A_479 {strides = array<i32>} : memref<528xf32, #tpu.memory_space<vmem>>, vector<16xf32>,
      %eq3A_482 = arith.constant 1.000000e+00 : f32
      %eq3A_483 = vector.broadcast %eq3A_482 : f32 to vector<16xf32>
      %eq3A_484 = arith.cmpf oeq, %gather3A_479, %eq3A_483 : vector<16xf32>
      %get3A_485 = arith.index_cast %mul3A_473 : i32 to index
      %get3A_486 = tpu.vector_load %arg27[%get3A_485] {strides = array<i32>} : memref<528xi32, #tpu.memory_space<vmem>>, vector<16xi32>,
      %select_n3A_487 = arith.select %eq3A_484, %get3A_486, %select_n3A_478 : vector<16xi1>, vector<16xi32>
      tpu.vector_store_idx %arg15[%select_n3A, %select_n3A_487], %get3A_67 masked %lt3A_66 : memref<4x4096xf32, #tpu.memory_space<vmem>>[vector<16xi32>, vector<16xi32>], vector<16xf32>, vector<16xi1>
      %mul3A_488 = arith.constant 4 : i32
      %mul3A_489 = arith.muli %add3A_464, %mul3A_488 : i32
      %add3A_490 = arith.addi %mul3A_2, %mul3A_489 : i32
      %dma_start3A_491 = arith.constant 0 : i32
      %dma_start3A_492 = tpu.memref_slice %arg7[%add3A_490, %dma_start3A_491] : memref<16384x4096xf32, #tpu.memory_space<hbm>> -> memref<4x4096xf32, #tpu.memory_space<hbm>>
      %dma_start3A_493 = arith.constant 0 : i32
      %dma_start3A_494 = tpu.memref_slice %arg7[%add3A_490, %dma_start3A_493] : memref<16384x4096xf32, #tpu.memory_space<hbm>> -> memref<4x4096xf32, #tpu.memory_space<hbm>>
      tpu.enqueue_dma source(%arg15 : memref<4x4096xf32, #tpu.memory_space<vmem>>) target(%dma_start3A_494 : memref<4x4096xf32, #tpu.memory_space<hbm>>) target_semaphore(%arg40 : memref<!tpu.dma_semaphore, #tpu.memory_space<semaphore_mem>>)
      %sub3A_495 = arith.constant 3 : i32
      %sub3A_496 = arith.subi %add3A_464, %sub3A_495 : i32
      %max3A_497 = arith.constant 0 : i32
      %max3A_498 = arith.maxsi %sub3A_496, %max3A_497 : i32
      %ge3A_499 = arith.constant 3 : i32
      %ge3A_500 = arith.cmpi sge, %add3A_464, %ge3A_499 : i32
      %sub3A_501 = arith.constant 3 : i32
      %sub3A_502 = arith.subi %add3A_464, %sub3A_501 : i32
      %add3A_503 = arith.constant 6 : i32
      %add3A_504 = arith.addi %sub3A_502, %add3A_503 : i32
      %lt3A_505 = arith.constant 128 : i32
      %lt3A_506 = arith.cmpi slt, %add3A_504, %lt3A_505 : i32
      %and3A_507 = arith.andi %ge3A_500, %lt3A_506 : i1
      %convert_element_type3A_508 = arith.extui %and3A_507 : i1 to i32
      %cond3A_509 = arith.constant 0 : i32
      %cond3A_510 = arith.cmpi ne, %convert_element_type3A_508, %cond3A_509 : i32
      scf.if %cond3A_510 {
        %mul3A_511 = arith.constant 4 : i32
        %mul3A_512 = arith.muli %max3A_498, %mul3A_511 : i32
        %add3A_513 = arith.addi %mul3A_2, %mul3A_512 : i32
        %dma_wait3A_514 = arith.constant 0 : i32
        %dma_wait3A_515 = tpu.memref_slice %arg7[%add3A_513, %dma_wait3A_514] : memref<16384x4096xf32, #tpu.memory_space<hbm>> -> memref<4x4096xf32, #tpu.memory_space<hbm>>
        %dma_wait3A_516 = arith.constant 0 : i32
        %dma_wait3A_517 = tpu.memref_slice %arg7[%add3A_513, %dma_wait3A_516] : memref<16384x4096xf32, #tpu.memory_space<hbm>> -> memref<4x4096xf32, #tpu.memory_space<hbm>>
        tpu.wait_dma2 semaphore(%arg37 : memref<!tpu.dma_semaphore, #tpu.memory_space<semaphore_mem>>) src(%arg12 : memref<4x4096xf32, #tpu.memory_space<vmem>>) dst(%dma_wait3A_517 : memref<4x4096xf32, #tpu.memory_space<hbm>>)
        %add3A_518 = arith.constant 6 : i32
        %add3A_519 = arith.addi %max3A_498, %add3A_518 : i32
        %mul3A_520 = arith.constant 4 : i32
        %mul3A_521 = arith.muli %add3A_519, %mul3A_520 : i32
        %add3A_522 = arith.addi %mul3A_2, %mul3A_521 : i32
        %dma_start3A_523 = arith.constant 0 : i32
        %dma_start3A_524 = tpu.memref_slice %arg2[%add3A_522, %dma_start3A_523] : memref<16384x4096xf32, #tpu.memory_space<hbm>> -> memref<4x4096xf32, #tpu.memory_space<hbm>>
        %dma_start3A_525 = arith.constant 0 : i32
        %dma_start3A_526 = tpu.memref_slice %arg2[%add3A_522, %dma_start3A_525] : memref<16384x4096xf32, #tpu.memory_space<hbm>> -> memref<4x4096xf32, #tpu.memory_space<hbm>>
        tpu.enqueue_dma source(%dma_start3A_526 : memref<4x4096xf32, #tpu.memory_space<hbm>>) target(%arg12 : memref<4x4096xf32, #tpu.memory_space<vmem>>) target_semaphore(%arg31 : memref<!tpu.dma_semaphore, #tpu.memory_space<semaphore_mem>>)
      } else {
      }
    }
    %scan3A_78 = arith.constant 21 : i32
    %add3A_79 = arith.constant 504 : i32
    %add3A_80 = arith.addi %mul3A_2, %add3A_79 : i32
    %dma_wait3A_81 = arith.constant 0 : i32
    %dma_wait3A_82 = tpu.memref_slice %arg2[%add3A_80, %dma_wait3A_81] : memref<16384x4096xf32, #tpu.memory_space<hbm>> -> memref<4x4096xf32, #tpu.memory_space<hbm>>
    %dma_wait3A_83 = arith.constant 0 : i32
    %dma_wait3A_84 = tpu.memref_slice %arg2[%add3A_80, %dma_wait3A_83] : memref<16384x4096xf32, #tpu.memory_space<hbm>> -> memref<4x4096xf32, #tpu.memory_space<hbm>>
    tpu.wait_dma2 semaphore(%arg29 : memref<!tpu.dma_semaphore, #tpu.memory_space<semaphore_mem>>) src(%dma_wait3A_84 : memref<4x4096xf32, #tpu.memory_space<hbm>>) dst(%arg10 : memref<4x4096xf32, #tpu.memory_space<vmem>>)
    %get3A_85 = arith.constant 504 : index
    %get3A_86 = tpu.vector_load %arg26[%get3A_85] {strides = array<i32>} : memref<528xi32, #tpu.memory_space<vmem>>, vector<16xi32>,
    %jit3A_87 = arith.constant 0 : i32
    %broadcast_in_dim3A_88 = vector.broadcast %jit3A_87 : i32 to vector<16xi32>
    %select_n3A_89 = arith.select %lt3A_66, %get3A_86, %broadcast_in_dim3A_88 : vector<16xi1>, vector<16xi32>
    %gather3A = tpu.vector_load_idx %arg10[%select_n3A, %select_n3A_89] masked %lt3A_66 : memref<4x4096xf32, #tpu.memory_space<vmem>>[vector<16xi32>, vector<16xi32>], vector<16xf32>, vector<16xi1>
    %swap3A = arith.constant 504 : index
    %swap3A_90 = tpu.vector_load %arg28[%swap3A] {strides = array<i32>} : memref<528xf32, #tpu.memory_space<vmem>>, vector<16xf32>,
    tpu.vector_store %arg28[%swap3A], %gather3A {strides = array<i32>} : memref<528xf32, #tpu.memory_space<vmem>>, vector<16xf32>,
    %eq3A = arith.constant 1.000000e+00 : f32
    %eq3A_91 = vector.broadcast %eq3A : f32 to vector<16xf32>
    %eq3A_92 = arith.cmpf oeq, %gather3A, %eq3A_91 : vector<16xf32>
    %get3A_93 = arith.constant 504 : index
    %get3A_94 = tpu.vector_load %arg27[%get3A_93] {strides = array<i32>} : memref<528xi32, #tpu.memory_space<vmem>>, vector<16xi32>,
    %select_n3A_95 = arith.select %eq3A_92, %get3A_94, %select_n3A_89 : vector<16xi1>, vector<16xi32>
    tpu.vector_store_idx %arg10[%select_n3A, %select_n3A_95], %get3A_67 masked %lt3A_66 : memref<4x4096xf32, #tpu.memory_space<vmem>>[vector<16xi32>, vector<16xi32>], vector<16xf32>, vector<16xi1>
    %add3A_96 = arith.constant 504 : i32
    %add3A_97 = arith.addi %mul3A_2, %add3A_96 : i32
    %dma_start3A_98 = arith.constant 0 : i32
    %dma_start3A_99 = tpu.memref_slice %arg7[%add3A_97, %dma_start3A_98] : memref<16384x4096xf32, #tpu.memory_space<hbm>> -> memref<4x4096xf32, #tpu.memory_space<hbm>>
    %dma_start3A_100 = arith.constant 0 : i32
    %dma_start3A_101 = tpu.memref_slice %arg7[%add3A_97, %dma_start3A_100] : memref<16384x4096xf32, #tpu.memory_space<hbm>> -> memref<4x4096xf32, #tpu.memory_space<hbm>>
    tpu.enqueue_dma source(%arg10 : memref<4x4096xf32, #tpu.memory_space<vmem>>) target(%dma_start3A_101 : memref<4x4096xf32, #tpu.memory_space<hbm>>) target_semaphore(%arg35 : memref<!tpu.dma_semaphore, #tpu.memory_space<semaphore_mem>>)
    %max3A = arith.constant 123 : i32
    %max3A_102 = arith.constant 0 : i32
    %max3A_103 = arith.maxsi %max3A, %max3A_102 : i32
    %and3A = arith.constant true
    %and3A_104 = arith.constant false
    %and3A_105 = arith.andi %and3A, %and3A_104 : i1
    %convert_element_type3A = arith.extui %and3A_105 : i1 to i32
    %cond3A = arith.constant 0 : i32
    %cond3A_106 = arith.cmpi ne, %convert_element_type3A, %cond3A : i32
    scf.if %cond3A_106 {
      %mul3A_212 = arith.constant 4 : i32
      %mul3A_213 = arith.muli %max3A_103, %mul3A_212 : i32
      %add3A_214 = arith.addi %mul3A_2, %mul3A_213 : i32
      %dma_wait3A_215 = arith.constant 0 : i32
      %dma_wait3A_216 = tpu.memref_slice %arg7[%add3A_214, %dma_wait3A_215] : memref<16384x4096xf32, #tpu.memory_space<hbm>> -> memref<4x4096xf32, #tpu.memory_space<hbm>>
      %dma_wait3A_217 = arith.constant 0 : i32
      %dma_wait3A_218 = tpu.memref_slice %arg7[%add3A_214, %dma_wait3A_217] : memref<16384x4096xf32, #tpu.memory_space<hbm>> -> memref<4x4096xf32, #tpu.memory_space<hbm>>
      tpu.wait_dma2 semaphore(%arg38 : memref<!tpu.dma_semaphore, #tpu.memory_space<semaphore_mem>>) src(%arg13 : memref<4x4096xf32, #tpu.memory_space<vmem>>) dst(%dma_wait3A_218 : memref<4x4096xf32, #tpu.memory_space<hbm>>)
      %add3A_219 = arith.constant 6 : i32
      %add3A_220 = arith.addi %max3A_103, %add3A_219 : i32
      %mul3A_221 = arith.constant 4 : i32
      %mul3A_222 = arith.muli %add3A_220, %mul3A_221 : i32
      %add3A_223 = arith.addi %mul3A_2, %mul3A_222 : i32
      %dma_start3A_224 = arith.constant 0 : i32
      %dma_start3A_225 = tpu.memref_slice %arg2[%add3A_223, %dma_start3A_224] : memref<16384x4096xf32, #tpu.memory_space<hbm>> -> memref<4x4096xf32, #tpu.memory_space<hbm>>
      %dma_start3A_226 = arith.constant 0 : i32
      %dma_start3A_227 = tpu.memref_slice %arg2[%add3A_223, %dma_start3A_226] : memref<16384x4096xf32, #tpu.memory_space<hbm>> -> memref<4x4096xf32, #tpu.memory_space<hbm>>
      tpu.enqueue_dma source(%dma_start3A_227 : memref<4x4096xf32, #tpu.memory_space<hbm>>) target(%arg13 : memref<4x4096xf32, #tpu.memory_space<vmem>>) target_semaphore(%arg32 : memref<!tpu.dma_semaphore, #tpu.memory_space<semaphore_mem>>)
    } else {
    }
    %add3A_107 = arith.constant 508 : i32
    %add3A_108 = arith.addi %mul3A_2, %add3A_107 : i32
    %dma_wait3A_109 = arith.constant 0 : i32
    %dma_wait3A_110 = tpu.memref_slice %arg2[%add3A_108, %dma_wait3A_109] : memref<16384x4096xf32, #tpu.memory_space<hbm>> -> memref<4x4096xf32, #tpu.memory_space<hbm>>
    %dma_wait3A_111 = arith.constant 0 : i32
    %dma_wait3A_112 = tpu.memref_slice %arg2[%add3A_108, %dma_wait3A_111] : memref<16384x4096xf32, #tpu.memory_space<hbm>> -> memref<4x4096xf32, #tpu.memory_space<hbm>>
    tpu.wait_dma2 semaphore(%arg30 : memref<!tpu.dma_semaphore, #tpu.memory_space<semaphore_mem>>) src(%dma_wait3A_112 : memref<4x4096xf32, #tpu.memory_space<hbm>>) dst(%arg11 : memref<4x4096xf32, #tpu.memory_space<vmem>>)
    %get3A_113 = arith.constant 508 : index
    %get3A_114 = tpu.vector_load %arg26[%get3A_113] {strides = array<i32>} : memref<528xi32, #tpu.memory_space<vmem>>, vector<16xi32>,
    %jit3A_115 = arith.constant 0 : i32
    %broadcast_in_dim3A_116 = vector.broadcast %jit3A_115 : i32 to vector<16xi32>
    %select_n3A_117 = arith.select %lt3A_66, %get3A_114, %broadcast_in_dim3A_116 : vector<16xi1>, vector<16xi32>
    %gather3A_118 = tpu.vector_load_idx %arg11[%select_n3A, %select_n3A_117] masked %lt3A_66 : memref<4x4096xf32, #tpu.memory_space<vmem>>[vector<16xi32>, vector<16xi32>], vector<16xf32>, vector<16xi1>
    %swap3A_119 = arith.constant 508 : index
    %swap3A_120 = tpu.vector_load %arg28[%swap3A_119] {strides = array<i32>} : memref<528xf32, #tpu.memory_space<vmem>>, vector<16xf32>,
    tpu.vector_store %arg28[%swap3A_119], %gather3A_118 {strides = array<i32>} : memref<528xf32, #tpu.memory_space<vmem>>, vector<16xf32>,
    %eq3A_121 = arith.constant 1.000000e+00 : f32
    %eq3A_122 = vector.broadcast %eq3A_121 : f32 to vector<16xf32>
    %eq3A_123 = arith.cmpf oeq, %gather3A_118, %eq3A_122 : vector<16xf32>
    %get3A_124 = arith.constant 508 : index
    %get3A_125 = tpu.vector_load %arg27[%get3A_124] {strides = array<i32>} : memref<528xi32, #tpu.memory_space<vmem>>, vector<16xi32>,
    %select_n3A_126 = arith.select %eq3A_123, %get3A_125, %select_n3A_117 : vector<16xi1>, vector<16xi32>
    tpu.vector_store_idx %arg11[%select_n3A, %select_n3A_126], %get3A_67 masked %lt3A_66 : memref<4x4096xf32, #tpu.memory_space<vmem>>[vector<16xi32>, vector<16xi32>], vector<16xf32>, vector<16xi1>
    %add3A_127 = arith.constant 508 : i32
    %add3A_128 = arith.addi %mul3A_2, %add3A_127 : i32
    %dma_start3A_129 = arith.constant 0 : i32
    %dma_start3A_130 = tpu.memref_slice %arg7[%add3A_128, %dma_start3A_129] : memref<16384x4096xf32, #tpu.memory_space<hbm>> -> memref<4x4096xf32, #tpu.memory_space<hbm>>
    %dma_start3A_131 = arith.constant 0 : i32
    %dma_start3A_132 = tpu.memref_slice %arg7[%add3A_128, %dma_start3A_131] : memref<16384x4096xf32, #tpu.memory_space<hbm>> -> memref<4x4096xf32, #tpu.memory_space<hbm>>
    tpu.enqueue_dma source(%arg11 : memref<4x4096xf32, #tpu.memory_space<vmem>>) target(%dma_start3A_132 : memref<4x4096xf32, #tpu.memory_space<hbm>>) target_semaphore(%arg36 : memref<!tpu.dma_semaphore, #tpu.memory_space<semaphore_mem>>)
    %max3A_133 = arith.constant 124 : i32
    %max3A_134 = arith.constant 0 : i32
    %max3A_135 = arith.maxsi %max3A_133, %max3A_134 : i32
    %and3A_136 = arith.constant true
    %and3A_137 = arith.constant false
    %and3A_138 = arith.andi %and3A_136, %and3A_137 : i1
    %convert_element_type3A_139 = arith.extui %and3A_138 : i1 to i32
    %cond3A_140 = arith.constant 0 : i32
    %cond3A_141 = arith.cmpi ne, %convert_element_type3A_139, %cond3A_140 : i32
    scf.if %cond3A_141 {
      %mul3A_212 = arith.constant 4 : i32
      %mul3A_213 = arith.muli %max3A_135, %mul3A_212 : i32
      %add3A_214 = arith.addi %mul3A_2, %mul3A_213 : i32
      %dma_wait3A_215 = arith.constant 0 : i32
      %dma_wait3A_216 = tpu.memref_slice %arg7[%add3A_214, %dma_wait3A_215] : memref<16384x4096xf32, #tpu.memory_space<hbm>> -> memref<4x4096xf32, #tpu.memory_space<hbm>>
      %dma_wait3A_217 = arith.constant 0 : i32
      %dma_wait3A_218 = tpu.memref_slice %arg7[%add3A_214, %dma_wait3A_217] : memref<16384x4096xf32, #tpu.memory_space<hbm>> -> memref<4x4096xf32, #tpu.memory_space<hbm>>
      tpu.wait_dma2 semaphore(%arg39 : memref<!tpu.dma_semaphore, #tpu.memory_space<semaphore_mem>>) src(%arg14 : memref<4x4096xf32, #tpu.memory_space<vmem>>) dst(%dma_wait3A_218 : memref<4x4096xf32, #tpu.memory_space<hbm>>)
      %add3A_219 = arith.constant 6 : i32
      %add3A_220 = arith.addi %max3A_135, %add3A_219 : i32
      %mul3A_221 = arith.constant 4 : i32
      %mul3A_222 = arith.muli %add3A_220, %mul3A_221 : i32
      %add3A_223 = arith.addi %mul3A_2, %mul3A_222 : i32
      %dma_start3A_224 = arith.constant 0 : i32
      %dma_start3A_225 = tpu.memref_slice %arg2[%add3A_223, %dma_start3A_224] : memref<16384x4096xf32, #tpu.memory_space<hbm>> -> memref<4x4096xf32, #tpu.memory_space<hbm>>
      %dma_start3A_226 = arith.constant 0 : i32
      %dma_start3A_227 = tpu.memref_slice %arg2[%add3A_223, %dma_start3A_226] : memref<16384x4096xf32, #tpu.memory_space<hbm>> -> memref<4x4096xf32, #tpu.memory_space<hbm>>
      tpu.enqueue_dma source(%dma_start3A_227 : memref<4x4096xf32, #tpu.memory_space<hbm>>) target(%arg14 : memref<4x4096xf32, #tpu.memory_space<vmem>>) target_semaphore(%arg33 : memref<!tpu.dma_semaphore, #tpu.memory_space<semaphore_mem>>)
    } else {
    }
    %scan3A_142 = arith.constant 0 : i32
    %scan3A_143 = arith.constant 0 : i32
    %scan3A_144 = arith.constant 32 : i32
    %scan3A_145 = arith.addi %scan3A_143, %scan3A_144 : i32
    %scan3A_146 = arith.constant 1 : i32
    scf.for %scan3A_212 = %scan3A_143 to %scan3A_145 step %scan3A_146  : i32 {
      %mul3A_213 = arith.constant 16 : i32
      %mul3A_214 = arith.muli %scan3A_212, %mul3A_213 : i32
      %add3A_215 = vector.broadcast %mul3A_214 : i32 to vector<16xi32>
      %add3A_216 = arith.addi %add3A_215, %iota3A : vector<16xi32>
      %mul3A_217 = arith.constant 16 : i32
      %mul3A_218 = arith.muli %scan3A_212, %mul3A_217 : i32
      %get3A_219 = arith.index_cast %mul3A_218 : i32 to index
      %get3A_220 = tpu.vector_load %arg28[%get3A_219] {strides = array<i32>} : memref<528xf32, #tpu.memory_space<vmem>>, vector<16xf32>,
      %eq3A_221 = arith.constant 1.000000e+00 : f32
      %eq3A_222 = vector.broadcast %eq3A_221 : f32 to vector<16xf32>
      %eq3A_223 = arith.cmpf oeq, %get3A_220, %eq3A_222 : vector<16xf32>
      %mul3A_224 = arith.constant 16 : i32
      %mul3A_225 = arith.muli %scan3A_212, %mul3A_224 : i32
      %get3A_226 = arith.index_cast %mul3A_225 : i32 to index
      %get3A_227 = tpu.vector_load %arg22[%get3A_226] {strides = array<i32>} : memref<528xi32, #tpu.memory_space<vmem>>, vector<16xi32>,
      %mul3A_228 = arith.constant 16 : i32
      %mul3A_229 = arith.muli %scan3A_212, %mul3A_228 : i32
      %get3A_230 = arith.index_cast %mul3A_229 : i32 to index
      %get3A_231 = tpu.vector_load %arg24[%get3A_230] {strides = array<i32>} : memref<528xi32, #tpu.memory_space<vmem>>, vector<16xi32>,
      %jit3A_232 = arith.constant 0 : i32
      %broadcast_in_dim3A_233 = vector.broadcast %jit3A_232 : i32 to vector<16xi32>
      %select_n3A_234 = arith.select %eq3A_223, %broadcast_in_dim3A_233, %get3A_231 : vector<16xi1>, vector<16xi32>
      %add3A_235 = arith.addi %get3A_227, %select_n3A_234 : vector<16xi32>
      %mul3A_236 = arith.constant 16 : i32
      %mul3A_237 = arith.muli %scan3A_212, %mul3A_236 : i32
      %get3A_238 = arith.index_cast %mul3A_237 : i32 to index
      %get3A_239 = tpu.vector_load %arg23[%get3A_238] {strides = array<i32>} : memref<528xi32, #tpu.memory_space<vmem>>, vector<16xi32>,
      %mul3A_240 = arith.constant 16 : i32
      %mul3A_241 = arith.muli %scan3A_212, %mul3A_240 : i32
      %get3A_242 = arith.index_cast %mul3A_241 : i32 to index
      %get3A_243 = tpu.vector_load %arg25[%get3A_242] {strides = array<i32>} : memref<528xi32, #tpu.memory_space<vmem>>, vector<16xi32>,
      %jit3A_244 = arith.constant 0 : i32
      %broadcast_in_dim3A_245 = vector.broadcast %jit3A_244 : i32 to vector<16xi32>
      %select_n3A_246 = arith.select %eq3A_223, %broadcast_in_dim3A_245, %get3A_243 : vector<16xi1>, vector<16xi32>
      %add3A_247 = arith.addi %get3A_239, %select_n3A_246 : vector<16xi32>
      %mul3A_248 = arith.constant 2 : i32
      %mul3A_249 = vector.broadcast %mul3A_248 : i32 to vector<16xi32>
      %mul3A_250 = arith.muli %mul3A_249, %add3A_216 : vector<16xi32>
      tpu.vector_store_idx %arg18[%mul3A_250], %add3A_235 : memref<1056xi32, #tpu.memory_space<vmem>>[vector<16xi32>], vector<16xi32>,
      %mul3A_251 = arith.constant 2 : i32
      %mul3A_252 = vector.broadcast %mul3A_251 : i32 to vector<16xi32>
      %mul3A_253 = arith.muli %mul3A_252, %add3A_216 : vector<16xi32>
      %add3A_254 = arith.constant 1 : i32
      %add3A_255 = vector.broadcast %add3A_254 : i32 to vector<16xi32>
      %add3A_256 = arith.addi %mul3A_253, %add3A_255 : vector<16xi32>
      tpu.vector_store_idx %arg18[%add3A_256], %add3A_247 : memref<1056xi32, #tpu.memory_space<vmem>>[vector<16xi32>], vector<16xi32>,
      %eq3A_257 = arith.constant 2.000000e+00 : f32
      %eq3A_258 = vector.broadcast %eq3A_257 : f32 to vector<16xf32>
      %eq3A_259 = arith.cmpf oeq, %get3A_220, %eq3A_258 : vector<16xf32>
      %jit3A_260 = arith.constant 1 : i32
      %jit3A_261 = arith.constant 0 : i32
      %broadcast_in_dim3A_262 = vector.broadcast %jit3A_260 : i32 to vector<16xi32>
      %broadcast_in_dim3A_263 = vector.broadcast %jit3A_261 : i32 to vector<16xi32>
      %select_n3A_264 = arith.select %eq3A_259, %broadcast_in_dim3A_262, %broadcast_in_dim3A_263 : vector<16xi1>, vector<16xi32>
      %mul3A_265 = arith.constant 16 : i32
      %mul3A_266 = arith.muli %scan3A_212, %mul3A_265 : i32
      %swap3A_267 = arith.index_cast %mul3A_266 : i32 to index
      %swap3A_268 = tpu.vector_load %arg19[%swap3A_267] {strides = array<i32>} : memref<528xi32, #tpu.memory_space<vmem>>, vector<16xi32>,
      tpu.vector_store %arg19[%swap3A_267], %select_n3A_264 {strides = array<i32>} : memref<528xi32, #tpu.memory_space<vmem>>, vector<16xi32>,
    }
    %scan3A_147 = arith.constant 32 : i32
    %mul3A_148 = arith.constant 2 : i32
    %mul3A_149 = arith.muli %mul3A_148, %mul3A_2 : i32
    %dma_start3A_150 = arith.constant 0 : i32
    %dma_start3A_151 = tpu.memref_slice %arg18[%dma_start3A_150] : memref<1056xi32, #tpu.memory_space<vmem>> -> memref<1024xi32, #tpu.memory_space<vmem>>
    %dma_start3A_152 = tpu.memref_slice %arg8[%mul3A_149] : memref<32768xi32, #tpu.memory_space<hbm>> -> memref<1024xi32, #tpu.memory_space<hbm>>
    %dma_start3A_153 = tpu.memref_slice %arg8[%mul3A_149] : memref<32768xi32, #tpu.memory_space<hbm>> -> memref<1024xi32, #tpu.memory_space<hbm>>
    %dma_start3A_154 = arith.constant 0 : i32
    %dma_start3A_155 = tpu.memref_slice %arg18[%dma_start3A_154] : memref<1056xi32, #tpu.memory_space<vmem>> -> memref<1024xi32, #tpu.memory_space<vmem>>
    tpu.enqueue_dma source(%dma_start3A_155 : memref<1024xi32, #tpu.memory_space<vmem>>) target(%dma_start3A_153 : memref<1024xi32, #tpu.memory_space<hbm>>) target_semaphore(%arg41 : memref<!tpu.dma_semaphore, #tpu.memory_space<semaphore_mem>>)
    %mul3A_156 = arith.constant 2 : i32
    %mul3A_157 = arith.muli %mul3A_156, %mul3A_2 : i32
    %dma_wait3A_158 = arith.constant 0 : i32
    %dma_wait3A_159 = tpu.memref_slice %arg18[%dma_wait3A_158] : memref<1056xi32, #tpu.memory_space<vmem>> -> memref<1024xi32, #tpu.memory_space<vmem>>
    %dma_wait3A_160 = tpu.memref_slice %arg8[%mul3A_157] : memref<32768xi32, #tpu.memory_space<hbm>> -> memref<1024xi32, #tpu.memory_space<hbm>>
    %dma_wait3A_161 = tpu.memref_slice %arg8[%mul3A_157] : memref<32768xi32, #tpu.memory_space<hbm>> -> memref<1024xi32, #tpu.memory_space<hbm>>
    %dma_wait3A_162 = arith.constant 0 : i32
    %dma_wait3A_163 = tpu.memref_slice %arg18[%dma_wait3A_162] : memref<1056xi32, #tpu.memory_space<vmem>> -> memref<1024xi32, #tpu.memory_space<vmem>>
    tpu.wait_dma2 semaphore(%arg41 : memref<!tpu.dma_semaphore, #tpu.memory_space<semaphore_mem>>) src(%dma_wait3A_163 : memref<1024xi32, #tpu.memory_space<vmem>>) dst(%dma_wait3A_161 : memref<1024xi32, #tpu.memory_space<hbm>>)
    %dma_start3A_164 = arith.constant 0 : i32
    %dma_start3A_165 = tpu.memref_slice %arg19[%dma_start3A_164] : memref<528xi32, #tpu.memory_space<vmem>> -> memref<512xi32, #tpu.memory_space<vmem>>
    %dma_start3A_166 = tpu.memref_slice %arg9[%mul3A_2] : memref<16384xi32, #tpu.memory_space<hbm>> -> memref<512xi32, #tpu.memory_space<hbm>>
    %dma_start3A_167 = tpu.memref_slice %arg9[%mul3A_2] : memref<16384xi32, #tpu.memory_space<hbm>> -> memref<512xi32, #tpu.memory_space<hbm>>
    %dma_start3A_168 = arith.constant 0 : i32
    %dma_start3A_169 = tpu.memref_slice %arg19[%dma_start3A_168] : memref<528xi32, #tpu.memory_space<vmem>> -> memref<512xi32, #tpu.memory_space<vmem>>
    tpu.enqueue_dma source(%dma_start3A_169 : memref<512xi32, #tpu.memory_space<vmem>>) target(%dma_start3A_167 : memref<512xi32, #tpu.memory_space<hbm>>) target_semaphore(%arg41 : memref<!tpu.dma_semaphore, #tpu.memory_space<semaphore_mem>>)
    %dma_wait3A_170 = arith.constant 0 : i32
    %dma_wait3A_171 = tpu.memref_slice %arg19[%dma_wait3A_170] : memref<528xi32, #tpu.memory_space<vmem>> -> memref<512xi32, #tpu.memory_space<vmem>>
    %dma_wait3A_172 = tpu.memref_slice %arg9[%mul3A_2] : memref<16384xi32, #tpu.memory_space<hbm>> -> memref<512xi32, #tpu.memory_space<hbm>>
    %dma_wait3A_173 = tpu.memref_slice %arg9[%mul3A_2] : memref<16384xi32, #tpu.memory_space<hbm>> -> memref<512xi32, #tpu.memory_space<hbm>>
    %dma_wait3A_174 = arith.constant 0 : i32
    %dma_wait3A_175 = tpu.memref_slice %arg19[%dma_wait3A_174] : memref<528xi32, #tpu.memory_space<vmem>> -> memref<512xi32, #tpu.memory_space<vmem>>
    tpu.wait_dma2 semaphore(%arg41 : memref<!tpu.dma_semaphore, #tpu.memory_space<semaphore_mem>>) src(%dma_wait3A_175 : memref<512xi32, #tpu.memory_space<vmem>>) dst(%dma_wait3A_173 : memref<512xi32, #tpu.memory_space<hbm>>)
    %add3A_176 = arith.constant 488 : i32
    %add3A_177 = arith.addi %mul3A_2, %add3A_176 : i32
    %dma_wait3A_178 = arith.constant 0 : i32
    %dma_wait3A_179 = tpu.memref_slice %arg7[%add3A_177, %dma_wait3A_178] : memref<16384x4096xf32, #tpu.memory_space<hbm>> -> memref<4x4096xf32, #tpu.memory_space<hbm>>
    %dma_wait3A_180 = arith.constant 0 : i32
    %dma_wait3A_181 = tpu.memref_slice %arg7[%add3A_177, %dma_wait3A_180] : memref<16384x4096xf32, #tpu.memory_space<hbm>> -> memref<4x4096xf32, #tpu.memory_space<hbm>>
    tpu.wait_dma2 semaphore(%arg37 : memref<!tpu.dma_semaphore, #tpu.memory_space<semaphore_mem>>) src(%arg12 : memref<4x4096xf32, #tpu.memory_space<vmem>>) dst(%dma_wait3A_181 : memref<4x4096xf32, #tpu.memory_space<hbm>>)
    %add3A_182 = arith.constant 492 : i32
    %add3A_183 = arith.addi %mul3A_2, %add3A_182 : i32
    %dma_wait3A_184 = arith.constant 0 : i32
    %dma_wait3A_185 = tpu.memref_slice %arg7[%add3A_183, %dma_wait3A_184] : memref<16384x4096xf32, #tpu.memory_space<hbm>> -> memref<4x4096xf32, #tpu.memory_space<hbm>>
    %dma_wait3A_186 = arith.constant 0 : i32
    %dma_wait3A_187 = tpu.memref_slice %arg7[%add3A_183, %dma_wait3A_186] : memref<16384x4096xf32, #tpu.memory_space<hbm>> -> memref<4x4096xf32, #tpu.memory_space<hbm>>
    tpu.wait_dma2 semaphore(%arg38 : memref<!tpu.dma_semaphore, #tpu.memory_space<semaphore_mem>>) src(%arg13 : memref<4x4096xf32, #tpu.memory_space<vmem>>) dst(%dma_wait3A_187 : memref<4x4096xf32, #tpu.memory_space<hbm>>)
    %add3A_188 = arith.constant 496 : i32
    %add3A_189 = arith.addi %mul3A_2, %add3A_188 : i32
    %dma_wait3A_190 = arith.constant 0 : i32
    %dma_wait3A_191 = tpu.memref_slice %arg7[%add3A_189, %dma_wait3A_190] : memref<16384x4096xf32, #tpu.memory_space<hbm>> -> memref<4x4096xf32, #tpu.memory_space<hbm>>
    %dma_wait3A_192 = arith.constant 0 : i32
    %dma_wait3A_193 = tpu.memref_slice %arg7[%add3A_189, %dma_wait3A_192] : memref<16384x4096xf32, #tpu.memory_space<hbm>> -> memref<4x4096xf32, #tpu.memory_space<hbm>>
    tpu.wait_dma2 semaphore(%arg39 : memref<!tpu.dma_semaphore, #tpu.memory_space<semaphore_mem>>) src(%arg14 : memref<4x4096xf32, #tpu.memory_space<vmem>>) dst(%dma_wait3A_193 : memref<4x4096xf32, #tpu.memory_space<hbm>>)
    %add3A_194 = arith.constant 500 : i32
    %add3A_195 = arith.addi %mul3A_2, %add3A_194 : i32
    %dma_wait3A_196 = arith.constant 0 : i32
    %dma_wait3A_197 = tpu.memref_slice %arg7[%add3A_195, %dma_wait3A_196] : memref<16384x4096xf32, #tpu.memory_space<hbm>> -> memref<4x4096xf32, #tpu.memory_space<hbm>>
    %dma_wait3A_198 = arith.constant 0 : i32
    %dma_wait3A_199 = tpu.memref_slice %arg7[%add3A_195, %dma_wait3A_198] : memref<16384x4096xf32, #tpu.memory_space<hbm>> -> memref<4x4096xf32, #tpu.memory_space<hbm>>
    tpu.wait_dma2 semaphore(%arg40 : memref<!tpu.dma_semaphore, #tpu.memory_space<semaphore_mem>>) src(%arg15 : memref<4x4096xf32, #tpu.memory_space<vmem>>) dst(%dma_wait3A_199 : memref<4x4096xf32, #tpu.memory_space<hbm>>)
    %add3A_200 = arith.constant 504 : i32
    %add3A_201 = arith.addi %mul3A_2, %add3A_200 : i32
    %dma_wait3A_202 = arith.constant 0 : i32
    %dma_wait3A_203 = tpu.memref_slice %arg7[%add3A_201, %dma_wait3A_202] : memref<16384x4096xf32, #tpu.memory_space<hbm>> -> memref<4x4096xf32, #tpu.memory_space<hbm>>
    %dma_wait3A_204 = arith.constant 0 : i32
    %dma_wait3A_205 = tpu.memref_slice %arg7[%add3A_201, %dma_wait3A_204] : memref<16384x4096xf32, #tpu.memory_space<hbm>> -> memref<4x4096xf32, #tpu.memory_space<hbm>>
    tpu.wait_dma2 semaphore(%arg35 : memref<!tpu.dma_semaphore, #tpu.memory_space<semaphore_mem>>) src(%arg10 : memref<4x4096xf32, #tpu.memory_space<vmem>>) dst(%dma_wait3A_205 : memref<4x4096xf32, #tpu.memory_space<hbm>>)
    %add3A_206 = arith.constant 508 : i32
    %add3A_207 = arith.addi %mul3A_2, %add3A_206 : i32
    %dma_wait3A_208 = arith.constant 0 : i32
    %dma_wait3A_209 = tpu.memref_slice %arg7[%add3A_207, %dma_wait3A_208] : memref<16384x4096xf32, #tpu.memory_space<hbm>> -> memref<4x4096xf32, #tpu.memory_space<hbm>>
    %dma_wait3A_210 = arith.constant 0 : i32
    %dma_wait3A_211 = tpu.memref_slice %arg7[%add3A_207, %dma_wait3A_210] : memref<16384x4096xf32, #tpu.memory_space<hbm>> -> memref<4x4096xf32, #tpu.memory_space<hbm>>
    tpu.wait_dma2 semaphore(%arg36 : memref<!tpu.dma_semaphore, #tpu.memory_space<semaphore_mem>>) src(%arg11 : memref<4x4096xf32, #tpu.memory_space<vmem>>) dst(%dma_wait3A_211 : memref<4x4096xf32, #tpu.memory_space<hbm>>)
    return
  }
}

</mosaic_0001>

<sc_bundles>
// kernel: kernel.3.cloned.1.call-start
scs
__scs_entry_jumppad:
0x0: {  	(pc) =	sbr.rel $0x88, $3  }
0x1: {  	(tag) =	ssettag $0x0;
	lr =	simm.s32 $0x1  }
0x2: {  	[smem:$0x3F9A] =	sst lr;
	_ =	strace $0xD0000000  }
0x3: {  	_ = 	snop  }
0x4: {  	_ = 	snop  }
0x5: {  	_ = 	snop  }
0x6: {  	_ = 	snop  }
0x7: {  	_ = 	snop  }
__scs_overlays_trampoline_lowered:
0x8: {  	[smem:$0x3FA9] =	sst s0  }
0x9: {  	[smem:$0x3FAA] =	sst s1  }
0xa: {  	[smem:$0x3FAB] =	sst s2  }
0xb: {  	[smem:$0x3FAC] =	sst s3  }
0xc: {  	[smem:$0x3FAD] =	sst s4  }
0xd: {  	[smem:$0x3FAE] =	sst s5  }
0xe: {  	[smem:$0x3FAF] =	sst s6  }
0xf: {  	[smem:$0x3FB0] =	sst s7  }
0x10: {  	[smem:$0x3FB1] =	sst s8  }
0x11: {  	[smem:$0x3FB2] =	sst s9;
	s0 =	simm.s32 @!p0 $0x0  }
0x12: {  	s1 =	sld [smem:$0x3F98];
	s0 =	simm.s32 @p0 $0x1  }
0x13: {  	[smem:$0x3FB3] =	sst s0;
	s0 =	simm.s32 @!p1 $0x0  }
0x14: {  	s2 =	sld [smem:$0x3F97];
	s0 =	simm.s32 @p1 $0x1  }
0x15: {  	[smem:$0x3FB4] =	sst s0;
	s0 =	simm.s32 @!p2 $0x0  }
0x16: {  	s3 =	sld [smem:$0x3FDB];
	s0 =	simm.s32 @p2 $0x1  }
0x17: {  	s4 =	simm.s32 $0x1BF5;
	[smem:$0x3FB6] =	sst s0  }
0x18: {  	s0 =	sld [smem:$0x3F99];
	_ =	swait.ge [sflag:s4], $0x0  }
0x19: {  	s7 =	sld [smem:$0x3F9A]  }
0x1a: {  	s8 =	sadd.s32 $0xFFFFE003, lr  }
0x1b: {  	s9 =	sadd.s32 $0xFFFFFEF7, lr;
	s5 =	simm.s32 $0xFFFFFFFF;
	p2 =	slt.u32 s8, $0xFFFFF086  }
0x1c: {  	p1 =	slt.u32 s9, $0xF7A;
	s5 =	simm.s32 @!p2 $0x0  }
0x1d: {  	s5 =	simm.s32 @p1 $0x1;
	p0 =	seq.s32 s7, s2  }
0x1e: {  	s7 =	smul.u32 @!p0 $0xF7A, s2;
	p2 =	seq.s32 @!p0 s5, $0x0  }
0x1f: {  	s9 =	smul.u32 $0xF7A, s1;
	s8 =	simm.s32 @!p0 $0x1BF5;
	p2 =	por !p2, p0  }
0x20: {  	[sflag:s8] =	ssyncset.s32 @!p0 $0xFFFFF086;
	s6 =	sadd.s32 @!p0 s3, s7;
	s7 =	simm.s32 @!p0 $0x108  }
0x21: {  	s3 =	sadd.s32 s3, s9;
	s6 =	sadd.s32 @!p0 $0x88, s6;
	s7 =	simm.s32 @p2 $0x1082  }
0x22: {  	[simem:s7], [sflag:s8] =	dma.local @!p0 [hbm:s6], $0xF7A  }
0x23: {  	s9 =	sor.u32 $0xD0000000, s2;
	s6 =	simm.s32 $0x108;
	_ =	swait.ge @!p0 [sflag:s8], $0x0  }
0x24: {  	s3 =	sadd.s32 $0x88, s3;
	s6 =	simm.s32 @!p1 $0x1082;
	[sflag:s4] =	ssyncset.s32 $0xFFFFF086  }
0x25: {  	[simem:s6], [sflag:s4] =	dma.local [hbm:s3], $0xF7A  }
0x26: {  	[smem:$0x3F9A] =	sst s1;
	(tag) =	ssettag s2;
	_ =	strace s9  }
0x27: {  	s1 =	sld [smem:$0x3FAA]  }
0x28: {  	s2 =	sld [smem:$0x3FAB]  }
0x29: {  	s4 =	sld [smem:$0x3FAD]  }
0x2a: {  	p0 =	seq.s32 s5, $0x0;
	s5 =	sld [smem:$0x3FAE]  }
0x2b: {  	s6 =	sld [smem:$0x3FAF]  }
0x2c: {  	s7 =	sld [smem:$0x3FB0]  }
0x2d: {  	s3 =	simm.s32 $0x108;
	s8 =	sld [smem:$0x3FB1]  }
0x2e: {  	s3 =	simm.s32 @!p0 $0x1082;
	s9 =	sld [smem:$0x3FB2]  }
0x2f: {  	lr =	sadd.s32 s0, s3;
	s0 =	sld [smem:$0x3FA9]  }
0x30: {  	s3 =	sld [smem:$0x3FAC]  }
0x31: {  	[smem:$0x3FB5] =	sst s10  }
0x32: {  	s10 =	sld [smem:$0x3FB3];
	_ =	sdelay $0x3  }
0x33: {  	p0 =	seq.s32 s10, $0x1;
	s10 =	sld [smem:$0x3FB5];
	_ =	sdelay $0x3  }
0x34: {  	[smem:$0x3FB5] =	sst s10  }
0x35: {  	s10 =	sld [smem:$0x3FB4];
	_ =	sdelay $0x3  }
0x36: {  	p1 =	seq.s32 s10, $0x1;
	s10 =	sld [smem:$0x3FB5];
	_ =	sdelay $0x3  }
0x37: {  	[smem:$0x3FB5] =	sst s10  }
0x38: {  	s10 =	sld [smem:$0x3FB6]  }
0x39: {  	_ = 	snop;
	(pc) =	sbr.ind lr, $3  }
0x3a: {  	_ = 	snop  }
0x3b: {  	_ = 	snop  }
0x3c: {  	p2 =	seq.s32 s10, $0x1;
	s10 =	sld [smem:$0x3FB5]  }
0x3d: {  	_ =	shalt  }
0x3e: {  	_ =	shalt  }
0x3f: {  	_ =	shalt  }
0x40: {  	_ =	shalt  }
0x41: {  	_ =	shalt  }
0x42: {  	_ =	shalt  }
0x43: {  	_ =	shalt  }
0x44: {  	_ =	shalt  }
0x45: {  	_ =	shalt  }
0x46: {  	_ =	shalt  }
0x47: {  	_ =	shalt  }
0x48: {  	_ =	shalt  }
0x49: {  	_ =	shalt  }
0x4a: {  	_ =	shalt  }
0x4b: {  	_ =	shalt  }
0x4c: {  	_ =	shalt  }
0x4d: {  	_ =	shalt  }
0x4e: {  	_ =	shalt  }
0x4f: {  	_ =	shalt  }
0x50: {  	_ =	shalt  }
0x51: {  	_ =	shalt  }
0x52: {  	_ =	shalt  }
0x53: {  	_ =	shalt  }
0x54: {  	_ =	shalt  }
0x55: {  	_ =	shalt  }
0x56: {  	_ =	shalt  }
0x57: {  	_ =	shalt  }
0x58: {  	_ =	shalt  }
0x59: {  	_ =	shalt  }
0x5a: {  	_ =	shalt  }
0x5b: {  	_ =	shalt  }
0x5c: {  	_ =	shalt  }
0x5d: {  	_ =	shalt  }
0x5e: {  	_ =	shalt  }
0x5f: {  	_ =	shalt  }
0x60: {  	_ =	shalt  }
0x61: {  	_ =	shalt  }
0x62: {  	_ =	shalt  }
0x63: {  	_ =	shalt  }
0x64: {  	_ =	shalt  }
0x65: {  	_ =	shalt  }
0x66: {  	_ =	shalt  }
0x67: {  	_ =	shalt  }
0x68: {  	_ =	shalt  }
0x69: {  	_ =	shalt  }
0x6a: {  	_ =	shalt  }
0x6b: {  	_ =	shalt  }
0x6c: {  	_ =	shalt  }
0x6d: {  	_ =	shalt  }
0x6e: {  	_ =	shalt  }
0x6f: {  	_ =	shalt  }
0x70: {  	_ =	shalt  }
0x71: {  	_ =	shalt  }
0x72: {  	_ =	shalt  }
0x73: {  	_ =	shalt  }
0x74: {  	_ =	shalt  }
0x75: {  	_ =	shalt  }
0x76: {  	_ =	shalt  }
0x77: {  	_ =	shalt  }
0x78: {  	_ =	shalt  }
0x79: {  	_ =	shalt  }
0x7a: {  	_ =	shalt  }
0x7b: {  	_ =	shalt  }
0x7c: {  	_ =	shalt  }
0x7d: {  	_ =	shalt  }
0x7e: {  	_ =	shalt  }
0x7f: {  	_ =	shalt  }
0x80: {  	_ =	shalt  }
0x81: {  	_ =	shalt  }
0x82: {  	_ =	shalt  }
0x83: {  	_ =	shalt  }
0x84: {  	_ =	shalt  }
0x85: {  	_ =	shalt  }
0x86: {  	_ =	shalt  }
0x87: {  	_ =	shalt  }
.Lfunc_end0:
.L_simem_size_0:
called_computation_lowered:
.L_overlay_start_0:
0x88: {  	s2 =	sld [smem:$0x3FD9]  }
0x89: {  	s3 =	sld [smem:$0x3FFE];
	_ =	sdelay $0x1  }
0x8a: {  	s1 =	srdreg.scid  }
0x8b: {  	s0 =	sand.u32 $0x1, s1  }
0x8c: {  	s14 =	sshll.u32 s0, $0xA;
	s2 =	sadd.s32 s3, s2  }
0x8d: {  	s2 =	sadd.s32 s2, s14  }
0x8e: {  	[smem:$0x3FC1] =	sst s2  }
0x8f: {  	_ = 	snop  }
0x90: {  	s2 =	sld [smem:$0x3FD0];
	_ =	sdelay $0x2  }
0x91: {  	s4 =	simm.s32 $0xA;
	s5 =	simm.s32 $0x10;
	s15 =	sld [smem:$0x3FC6]  }
0x92: {  	[smem:s5], [sflag:s4] =	dma.local [hbm:s2], $0x1  }
0x93: {  	_ =	swait.eq [sflag:s4], $0x1  }
0x94: {  	s16 =	sld [smem:$0x10]  }
0x95: {  	s17 =	sld [smem:$0x11]  }
0x96: {  	s6 =	sld [smem:$0x12];
	[sflag:s4] =	ssyncset.done $0x0  }
0x97: {  	s7 =	sld [smem:$0x14];
	[sflag:s4] =	ssyncadd.s32 $0xFFFFFFFF  }
0x98: {  	s18 =	sld [smem:$0x15];
	(tm) =	ssettm $0x1  }
0x99: {  	s8 =	sld [smem:$0x3FFB];
	_ =	sdelay $0x3  }
0x9a: {  	_ =	strace s8  }
0x9b: {  	s8 =	sld [smem:$0x3FFC];
	_ =	sdelay $0x3  }
0x9c: {  	_ =	strace s8  }
0x9d: {  	s8 =	sld [smem:$0x3FFD];
	_ =	sdelay $0x3  }
0x9e: {  	_ =	strace s8  }
0x9f: {  	_ =	strace $0x8FFFFFFF  }
0xa0: {  	s19 =	sld [smem:$0x3FDB];
	_ =	sdelay $0x1  }
0xa1: {  	s9 =	simm.s32 $_scs_section_size  }
0xa2: {  	s10 =	simm.s32 $_size__tile_overlayer_lowered;
	s11 =	simm.s32 $_tile_overlayer_lowered  }
0xa3: {  	s22 =	simm.s32 $0x1BFF;
	s21 =	sshll.u32 s11, $0x1;
	s8 =	sadd.s32 s9, s19  }
0xa4: {  	s12 =	simm.s32 $0x0;
	s20 =	sshll.u32 s10, $0x1;
	s10 =	sadd.s32 s21, s8  }
0xa5: {  	[timem:s12], [sflag:s22] =	dma.local [hbm:s10], s20  }
0xa6: {  	_ =	swait.ge [sflag:s22], s20  }
0xa7: {  	s9 =	ssub.s32 $0x0, s20;
	[sflag:s22] =	ssyncset.done $0x0  }
0xa8: {  	[sflag:s22] =	ssyncadd.s32 s9;
	_ =	sdelay $0x1  }
0xa9: {  	s23 =	simm.s32 $0x1B8B  }
0xaa: {  	_ =	swait.ge [sflag:s23], $0x1  }
0xab: {  	[sflag:s23] =	ssyncset.done $0x0  }
0xac: {  	s25 =	simm.s32 $0x1B8E;
	s24 =	sld [smem:$0x3FFE];
	[sflag:s23] =	ssyncadd.s32 $0xFFFFFFFF  }
0xad: {  	s26 =	simm.s32 $execute0_lowered;
	[smem:$0x3FD2] =	sst s25  }
0xae: {  	s10 =	sshll.u32 s26, $0x1;
	_ =	strace $0x80000046;
	[dreg:$0x1] =	wrdreg $0xFFFFFFFF  }
0xaf: {  	s28 =	simm.s32 $_size_execute0_lowered;
	s8 =	sadd.s32 s8, s10;
	[dreg:$0x0] =	wrdreg $0x0  }
0xb0: {  	s10 =	sshll.u32 s28, $0x1;
	[dreg:$0x2] =	wrdreg s8  }
0xb1: {  	[dreg:$0x3] =	wrdreg s10  }
0xb2: {  	[dreg:$0x4] =	wrdreg $0xC0  }
0xb3: {  	_ =	task [dreg:s12], $0x5FFFF  }
0xb4: {  	[dreg:$0x1] =	wrdreg $0xFFFFFFFF  }
0xb5: {  	[dreg:$0x0] =	wrdreg $0x60  }
0xb6: {  	[dreg:$0x2] =	wrdreg s16  }
0xb7: {  	[dreg:$0x3] =	wrdreg s15  }
0xb8: {  	[dreg:$0x4] =	wrdreg s17  }
0xb9: {  	[dreg:$0x5] =	wrdreg s6  }
0xba: {  	[dreg:$0x6] =	wrdreg s7  }
0xbb: {  	[dreg:$0x7] =	wrdreg s24  }
0xbc: {  	[dreg:$0x8] =	wrdreg s18  }
0xbd: {  	[dreg:$0x9] =	wrdreg $0x9  }
0xbe: {  	_ =	task.clear_ibuf [dreg:s12], $0xAFFFF;
	_ =	strace $0x90000046  }
0xbf: {  	s29 =	simm.s32 $0x9;
	_ =	strace $0x80000048  }
0xc0: {  	_ =	swait.ge [sflag:s29], $0x1  }
0xc1: {  	[sflag:s29] =	ssyncadd.s32 $0xFFFFFFFF  }
0xc2: {  	_ =	strace $0x90000048  }
0xc3: {  	_ =	sfence  }
0xc4: {  	s30 =	sld [smem:$0x0];
	_ =	sdelay $0x2  }
0xc5: {  	s31 =	sshll.u32 s1, $0xD;
	s1 =	sshrl.u32 s1, $0x2  }
0xc6: {  	s3 =	sand.u32 $0x4000, s31;
	s1 =	sadd.s32 s1, s30  }
0xc7: {  	s0 =	sor.u32 s3, s0;
	s1 =	sshll.u32 s1, $0x11  }
0xc8: {  	s0 =	sor.u32 s1, s0  }
0xc9: {  	s0 =	sadd.s32 $0x8F2B, s0  }
0xca: {  	[sflag:s0] =	ssyncadd.remote.s32 $0x1  }
0xcb: {  	_ =	sfence.sel $0xFFFF  }
0xcc: {  	[dreg:$0x0] =	wrdreg $0xFFFFFFFF;
	(pc) =	sbr.abs _section_cstart, $3  }
0xcd: {  	[dreg:$0x1] =	wrdreg $0xFFFFFFFF  }
0xce: {  	_ =	task.clear_ibuf [dreg:s12], $0x2FFFF;
	_ =	strace $0x9FFFFFFF  }
0xcf: {  	(tm) =	ssettm $0x7FFFFFFF  }
tec
execute0_lowered:
.L_overlay_start_1:
0x0: {  	(tag) =	ssettag $0x1  }
0x1: {  	s11 =	rddreg [dreg:$0x0]  }
0x2: {  	s0 =	rddreg [dreg:$0x1]  }
0x3: {  	s1 =	rddreg [dreg:$0x2]  }
0x4: {  	s2 =	rddreg [dreg:$0x5]  }
0x5: {  	s3 =	rddreg [dreg:$0x6]  }
0x6: {  	s4 =	srdreg.scid;
	s12 =	stileid.u32;
	s5 =	simm.s32 $0x0  }
0x7: {  	s29 =	simm.s32 $0x18280;
	s30 =	simm.s32 $0x18E00;
	s31 =	simm.s32 $0xC000  }
0x8: {  	s4 =	sand.u32 $0x1, s4;
	s6 =	sshll.u32 s12, $0x1;
	[smem:$0x7FF] =	sst s5  }
0x9: {  	s9 =	sadd.s32 $0x1600, s2;
	s14 =	sshll.u32 s12, $0x13;
	s12 =	simm.s32 $0x3  }
0xa: {  	s6 =	sor.u32 s4, s6;
	_ =	strace $0x80000047;
	s8 =	ssub.s32 $0x2, s4  }
0xb: {  	s4 =	sshll.u32 s4, $0x12;
	s7 =	sshll.u32 s6, $0x7;
	s21 =	sshll.u32 s6, $0x6  }
0xc: {  	s10 =	sshrl.u32 s8, $0x1;
	s6 =	sshll.u32 s6, $0x12;
	s0 =	sadd.s32 s0, s21  }
0xd: {  	s16 =	sor.u32 s4, s14;
	s22 =	sadd.s32 s1, s7;
	[dreg:$0x8] =	wrdreg s0  }
0xe: {  	s4 =	simm.s32 $0x400;
	s23 =	sadd.s32 s11, s6;
	[dreg:$0x9] =	wrdreg s22  }
0xf: {  	s14 =	simm.s32 $0x7;
	s17 =	sadd.s32 s3, s21;
	[dreg:$0xa] =	wrdreg s23  }
0x10: {  	s2 =	sadd.s32 s7, s2;
	s19 =	sor.u32 $0x3000, s16;
	[dreg:$0x13] =	wrdreg s17  }
0x11: {  	s8 =	ssub.s32 s8, s10;
	s20 =	sadd.s32 s9, s16;
	[dreg:$0x15] =	wrdreg s19  }
0x12: {  	s7 =	sadd.s32 s6, s9;
	s24 =	sadd.s32 $0x40, s23;
	[dreg:$0x16] =	wrdreg s20  }
0x13: {  	s21 =	sadd.s32 s16, s11;
	s25 =	sadd.s32 $0x1000, s23;
	[dreg:$0xb] =	wrdreg s24  }
0x14: {  	s1 =	simm.s32 $0x200;
	s26 =	sadd.s32 $0x1040, s23;
	[dreg:$0xc] =	wrdreg s25  }
0x15: {  	s3 =	simm.s32 $0x8000;
	s28 =	sadd.s32 $0x2000, s23;
	[dreg:$0xd] =	wrdreg s26  }
0x16: {  	s6 =	simm.s32 $0x10000;
	s0 =	sadd.s32 $0x2040, s23;
	[dreg:$0xe] =	wrdreg s28  }
0x17: {  	s10 =	simm.s32 $0x1;
	s13 =	sadd.s32 $0x3F000, s7;
	[dreg:$0xf] =	wrdreg s0  }
0x18: {  	s15 =	sadd.s32 $0x801600, s2;
	s18 =	smax.u32 s8, $0x1;
	[dreg:$0x10] =	wrdreg s13  }
0x19: {  	s22 =	sadd.s32 $0x1000, s20;
	s23 =	sadd.s32 $0x4000, s21;
	[dreg:$0x12] =	wrdreg s15  }
0x1a: {  	s2 =	simm.s32 $0x4000;
	s17 =	simm.s32 $0x6;
	[dreg:$0x14] =	wrdreg s18  }
0x1b: {  	s8 =	simm.s32 $0x9;
	s0 =	sadd.s32 $0x3F040, s7;
	[dreg:$0x17] =	wrdreg s22  }
0x1c: {  	[dreg:$0x18] =	wrdreg s23;
	s25 =	sadd.s32 $0x3000, s21;
	s26 =	sadd.s32 $0x1040, s20  }
0x1d: {  	s28 =	sadd.s32 $0x2040, s20;
	s7 =	simm.s32 $0x14000;
	[dreg:$0x11] =	wrdreg s0  }
0x1e: {  	s20 =	simm.s32 $0xD;
	s13 =	simm.s32 $0x4;
	[dreg:$0x1b] =	wrdreg s25  }
0x1f: {  	v0 =	vimm.s32 $0x0;
	vm0 =	vcmask $0x704;
	s15 =	simm.s32 $0x5;
	s0 =	sor.u32 $0x2000, s16;
	[dreg:$0x1c] =	wrdreg s26  }
0x20: {  	v1 =	vsel vm0, $0x80, v0;
	vm0 =	vcmask $0xB08;
	s18 =	simm.s32 $0x18700;
	[dreg:$0x1d] =	wrdreg s28;
	s24 =	sadd.s32 s0, s9  }
0x21: {  	v2 =	vlaneseq.u32;
	vm1 =	vcmask $0xF0C;
	v3 =	vsel vm0, $0x100, v1;
	s16 =	simm.s32 $0x8;
	s0 =	sadd.s32 s0, s11;
	[dreg:$0x19] =	wrdreg s24  }
0x22: {  	v1 =	vmul.u32 $0x2, v2;
	vm0 =	vmmov $0xf;
	v2 =	vsel vm1, $0x180, v3;
	s11 =	simm.s32 $0x2;
	s9 =	simm.s32 $0x0;
	[dreg:$0x1a] =	wrdreg s0  }
.LBB2_1:
0x23: {  	[dreg:$0x1e] =	wrdreg s9  }
0x24: {  	s0 =	simm.s32 $0x18000;
	s26 =	rddreg [dreg:$0x8]  }
0x25: {  	[tilespmem:s0], [sflag:$0xD] =	stream.linear.gather [hbm4b:s26+s5], $0x200, $0x38;
	[tilespmem:$0x1A080] =	vst v63  }
0x26: {  	s28 =	rddreg [dreg:$0x9]  }
0x27: {  	[tilespmem:s29], [sflag:$0xD] =	stream.linear.gather [hbm4b:s28+s5], $0x400, $0x38;
	[tilespmem:$0x1A080] =	vst v63  }
0x28: {  	s19 =	rddreg [dreg:$0x3]  }
0x29: {  	[tilespmem:s30], [sflag:$0xD] =	stream.linear.gather [hbm4b:s19+s5], $0x80, $0x38;
	[tilespmem:$0x1A080] =	vst v63  }
0x2a: {  	s21 =	rddreg [dreg:$0x4];
	s19 =	simm.s32 $0x18E80  }
0x2b: {  	[tilespmem:s19], [sflag:$0xD] =	stream.linear.gather [hbm4b:s21+s5], $0x80, $0x38;
	[tilespmem:$0x1A080] =	vst v63  }
0x2c: {  	s22 =	rddreg [dreg:$0xa]  }
0x2d: {  	[tilespmem:s5], [sflag:$0x1] =	stream.strided.gather [hbm4b:s22+s1], $0x4000, s4, s1, $0x38;
	[tilespmem:$0x1A080] =	vst v63  }
0x2e: {  	s23 =	rddreg [dreg:$0xb]  }
0x2f: {  	[tilespmem:s2], [sflag:$0x2] =	stream.strided.gather [hbm4b:s23+s1], $0x4000, s4, s1, $0x38;
	[tilespmem:$0x1A080] =	vst v63  }
0x30: {  	s24 =	rddreg [dreg:$0xc]  }
0x31: {  	[tilespmem:s3], [sflag:$0x3] =	stream.strided.gather [hbm4b:s24+s1], $0x4000, s4, s1, $0x38;
	[tilespmem:$0x1A080] =	vst v63  }
0x32: {  	s25 =	rddreg [dreg:$0xd]  }
0x33: {  	[tilespmem:s31], [sflag:$0x4] =	stream.strided.gather [hbm4b:s25+s1], $0x4000, s4, s1, $0x38;
	[tilespmem:$0x1A080] =	vst v63  }
0x34: {  	s26 =	rddreg [dreg:$0xe]  }
0x35: {  	[tilespmem:s6], [sflag:$0x5] =	stream.strided.gather [hbm4b:s26+s1], $0x4000, s4, s1, $0x38;
	[tilespmem:$0x1A080] =	vst v63  }
0x36: {  	s28 =	rddreg [dreg:$0xf]  }
0x37: {  	[tilespmem:s7], [sflag:$0x6] =	stream.strided.gather [hbm4b:s28+s1], $0x4000, s4, s1, $0x38;
	[tilespmem:$0x1A080] =	vst v63  }
0x38: {  	_ =	swait.ge [sflag:s20], $0x200  }
0x39: {  	[sflag:s20] =	ssyncset.done $0x0  }
0x3a: {  	[sflag:s20] =	ssyncadd.s32 $0xFFFFFE00  }
0x3b: {  	_ =	swait.ge [sflag:s20], $0x400  }
0x3c: {  	[sflag:s20] =	ssyncset.done $0x0  }
0x3d: {  	[sflag:s20] =	ssyncadd.s32 $0xFFFFFC00  }
0x3e: {  	_ =	swait.ge [sflag:s20], $0x80  }
0x3f: {  	[sflag:s20] =	ssyncset.done $0x0  }
0x40: {  	[sflag:s20] =	ssyncadd.s32 $0xFFFFFF80  }
0x41: {  	_ =	swait.ge [sflag:s20], $0x80  }
0x42: {  	s9 =	simm.s32 $0x18F00;
	s19 =	simm.s32 $0x19180;
	[sflag:s20] =	ssyncset.done $0x0  }
0x43: {  	s21 =	simm.s32 $0x19680;
	s22 =	simm.s32 $0x19900;
	[sflag:s20] =	ssyncadd.s32 $0xFFFFFF80  }
0x44: {  	s23 =	simm.s32 $0x19B80;
	s24 =	simm.s32 $0x0;
	s20 =	simm.s32 $0x19400;
	v3 =	vld [tilespmem:$0x18E80]  }
.LBB2_2:
0x45: {  	v4 =	vld [tilespmem:s0+$0x0];
	_ =	sdelay $0x3  }
0x46: {  	v5 =	vmov s24  }
0x47: {  	v5 =	vshll.u32 v5, $0x1;
	vm1 =	vgt.s32 v4, $0x0  }
0x48: {  	v5 =	vor.u32 v1, v5;
	v4 =	vnsel vm1, $0x0, v4  }
0x49: {  	v6 =	vor.u32 $0x1, v5;
	v4 =	vmin.u32 v4, $0x8  }
0x4a: {  	v4 =	vshll.u32 v4, $0x1  }
0x4b: {  	v7 =	vor.u32 $0x1, v4;
	_ =	sdelay $0x1  }
0x4c: {  	v5 =	vld.idx.msk [tilespmem:v5+s29+$0x0], $0xffff  }
0x4d: {  	v6 =	vld.idx.msk [tilespmem:v6+s29+$0x0], $0xffff  }
0x4e: {  	v4 =	vld.idx.msk [tilespmem:v4+s30+$0x0], $0xffff  }
0x4f: {  	v7 =	vld.idx.msk [tilespmem:v7+s30+$0x0], $0xffff;
	_ =	sdelay $0x3  }
0x50: {  	v8 =	vadd.s32 v5, v4  }
0x51: {  	vm1 =	vgt.s32 v8, $0x0;
	v9 =	vadd.s32 v6, v7  }
0x52: {  	p0 =	sne.s32 s24, $0x1F0;
	[tilespmem:s9+$0x0] =	vst v5;
	v8 =	vnsel vm1, $0x0, v8;
	vm1 =	vgt.s32 v9, $0x0  }
.Ltmp0:
0x53: {  	[tilespmem:s19+$0x0] =	vst v6;
	v8 =	vmin.u32 v8, $0x3F;
	v9 =	vnsel vm1, $0x0, v9;
	(pc) =	sbr.rel @p0 .LBB2_2-.Ltmp0, $4  }
0x54: {  	[tilespmem:s20+$0x0] =	vst v4;
	v9 =	vmin.u32 v9, $0x3F;
	v4 =	vshll.u32 v8, $0x6  }
0x55: {  	s0 =	sadd.s32 $0x10, s0;
	s24 =	sadd.s32 $0x10, s24;
	v5 =	vshll.u32 v5, $0x6;
	[tilespmem:s21+$0x0] =	vst v7;
	v4 =	vor.u32 v9, v4  }
0x56: {  	s9 =	sadd.s32 $0x10, s9;
	s19 =	sadd.s32 $0x10, s19;
	s20 =	sadd.s32 $0x10, s20;
	[tilespmem:s22+$0x0] =	vst v4;
	v4 =	vadd.s32 v6, v5  }
0x57: {  	s21 =	sadd.s32 $0x10, s21;
	s22 =	sadd.s32 $0x10, s22;
	[tilespmem:s23+$0x0] =	vst v4;
	s23 =	sadd.s32 $0x10, s23  }
0x58: {  	s9 =	simm.s32 $0x0;
	s0 =	simm.s32 $0x19B8C;
	s22 =	simm.s32 $0x19E0C  }
0x59: {  	s19 =	simm.s32 $0x1990C;
	s20 =	simm.s32 $0x0;
	s21 =	simm.s32 $0x0  }
.LBB2_4:
0x5a: {  	_ =	swait.ge [sflag:s10], $0x4000  }
0x5b: {  	[sflag:s10] =	ssyncset.done $0x0  }
0x5c: {  	[sflag:s10] =	ssyncadd.s32 $0xFFFFC000  }
0x5d: {  	v4 =	vld [tilespmem:s19+$0xFFFFFFF4];
	_ =	sdelay $0x4  }
0x5e: {  	v4 =	vnsel vm0, $0x0, v4  }
0x5f: {  	v5 =	vshll.u32 v4, $0x2  }
0x60: {  	v6 =	vand.u32 $0x7F, v4;
	v5 =	vand.u32 $0xFFFFFE00, v5  }
0x61: {  	v5 =	vor.u32 v5, v6  }
0x62: {  	v5 =	vor.u32 v2, v5;
	_ =	sdelay $0x4  }
0x63: {  	v5 =	vld.idx.msk [tilespmem:v5+s5+$0x0], $0xf;
	_ =	sdelay $0x4  }
0x64: {  	[tilespmem:s22+$0xFFFFFFF4] =	vst v5  }
0x65: {  	v53 =	vld [tilespmem:s0+$0xFFFFFFF4];
	_ =	sdelay $0x3  }
0x66: {  	vm1 =	veq.f32 v5, $1.000000000e+00  }
0x67: {  	v4 =	vsel vm1, v53, v4  }
0x68: {  	v5 =	vshll.u32 v4, $0x2  }
0x69: {  	v4 =	vand.u32 $0x7F, v4;
	v5 =	vand.u32 $0xFFFFFE00, v5  }
0x6a: {  	v4 =	vor.u32 v5, v4  }
0x6b: {  	v4 =	vor.u32 v2, v4;
	_ =	sdelay $0x2  }
0x6c: {  	s23 =	smin.u32 s21, $0x3;
	s24 =	rddreg [dreg:$0x16]  }
0x6d: {  	p0 =	seq.s32 s20, $0x0;
	s25 =	sshll.u32 s23, $0xB;
	s26 =	rddreg [dreg:$0x15]  }
0x6e: {  	s24 =	sadd.s32 s20, s24;
	s25 =	ssub.s32 s26, s25;
	s26 =	simm.s32 @!p0 $0xA;
	[tilespmem:v4+s5+$0x0] =	vst.idx.msk $0xf, v3  }
0x6f: {  	[hbm4b:s24+s1] =	stream.strided.scatter [tilespmem:s5], [sflag:$0x7], $0x4000, s4, s1, $0x38;
	[tilespmem:$0x1A080] =	vst v63  }
0x70: {  	s23 =	sshll.u32 s23, $0x6;
	_ =	swait.ge @!p0 [sflag:s26], $0x4000  }
0x71: {  	s23 =	ssub.s32 s9, s23;
	s25 =	sadd.s32 @!p0 s25, s20;
	[sflag:s26] =	ssyncset.done @!p0 $0x0  }
0x72: {  	s23 =	sand.u32 @!p0 $0x40, s23;
	s25 =	sand.u32 @!p0 $0xFFFF000, s25;
	s28 =	rddreg [dreg:$0x0]  }
0x73: {  	[sflag:s26] =	ssyncadd.s32 @!p0 $0xFFFFC000;
	s26 =	simm.s32 @!p0 $0x400;
	s23 =	sadd.s32 @!p0 s28, s23  }
0x74: {  	s28 =	simm.s32 @!p0 $0xC000;
	s25 =	sadd.s32 @!p0 s25, s23;
	s23 =	simm.s32 @!p0 $0x200  }
0x75: {  	[tilespmem:s28], [sflag:$0x4] =	stream.strided.gather @!p0 [hbm4b:s25+s23], $0x4000, s26, s23, $0x38;
	[tilespmem:$0x1A080] =	vst v63  }
0x76: {  	_ =	swait.ge [sflag:s11], $0x4000  }
0x77: {  	[sflag:s11] =	ssyncset.done $0x0  }
0x78: {  	[sflag:s11] =	ssyncadd.s32 $0xFFFFC000  }
0x79: {  	v4 =	vld [tilespmem:s19+$0xFFFFFFF8];
	_ =	sdelay $0x4  }
0x7a: {  	v4 =	vnsel vm0, $0x0, v4  }
0x7b: {  	v5 =	vshll.u32 v4, $0x2  }
0x7c: {  	v54 =	vand.u32 $0x7F, v4;
	v5 =	vand.u32 $0xFFFFFE00, v5  }
0x7d: {  	v5 =	vor.u32 v5, v54  }
0x7e: {  	v5 =	vor.u32 v2, v5;
	_ =	sdelay $0x4  }
0x7f: {  	v5 =	vld.idx.msk [tilespmem:v5+s2+$0x0], $0xf;
	_ =	sdelay $0x4  }
0x80: {  	[tilespmem:s22+$0xFFFFFFF8] =	vst v5  }
0x81: {  	v55 =	vld [tilespmem:s0+$0xFFFFFFF8];
	_ =	sdelay $0x3  }
0x82: {  	vm1 =	veq.f32 v5, $1.000000000e+00  }
0x83: {  	v4 =	vsel vm1, v55, v4  }
0x84: {  	v5 =	vshll.u32 v4, $0x2  }
0x85: {  	v4 =	vand.u32 $0x7F, v4;
	v5 =	vand.u32 $0xFFFFFE00, v5  }
0x86: {  	v4 =	vor.u32 v5, v4  }
0x87: {  	v4 =	vor.u32 v2, v4;
	_ =	sdelay $0x4  }
0x88: {  	s24 =	sadd.s32 $0x40, s24;
	[tilespmem:v4+s2+$0x0] =	vst.idx.msk $0xf, v3  }
0x89: {  	[hbm4b:s24+s1] =	stream.strided.scatter [tilespmem:s2], [sflag:$0x8], $0x4000, s4, s1, $0x38;
	[tilespmem:$0x1A080] =	vst v63  }
0x8a: {  	s24 =	simm.s32 @!p0 $0xB  }
0x8b: {  	_ =	swait.ge @!p0 [sflag:s24], $0x4000  }
0x8c: {  	[sflag:s24] =	ssyncset.done @!p0 $0x0  }
0x8d: {  	[sflag:s24] =	ssyncadd.s32 @!p0 $0xFFFFC000;
	s24 =	rddreg [dreg:$0x1a]  }
0x8e: {  	s25 =	simm.s32 @!p0 $0x10000;
	s24 =	sadd.s32 @!p0 s20, s24  }
0x8f: {  	[tilespmem:s25], [sflag:$0x5] =	stream.strided.gather @!p0 [hbm4b:s24+s23], $0x4000, s26, s23, $0x38;
	[tilespmem:$0x1A080] =	vst v63  }
0x90: {  	_ =	swait.ge [sflag:s12], $0x4000  }
0x91: {  	[sflag:s12] =	ssyncset.done $0x0  }
0x92: {  	[sflag:s12] =	ssyncadd.s32 $0xFFFFC000  }
0x93: {  	v4 =	vld [tilespmem:s19+$0xFFFFFFFC];
	_ =	sdelay $0x4  }
0x94: {  	v4 =	vnsel vm0, $0x0, v4  }
0x95: {  	v5 =	vshll.u32 v4, $0x2  }
0x96: {  	v56 =	vand.u32 $0x7F, v4;
	v5 =	vand.u32 $0xFFFFFE00, v5  }
0x97: {  	v5 =	vor.u32 v5, v56  }
0x98: {  	v5 =	vor.u32 v2, v5;
	_ =	sdelay $0x4  }
0x99: {  	v5 =	vld.idx.msk [tilespmem:v5+s3+$0x0], $0xf;
	_ =	sdelay $0x4  }
0x9a: {  	[tilespmem:s22+$0xFFFFFFFC] =	vst v5  }
0x9b: {  	v57 =	vld [tilespmem:s0+$0xFFFFFFFC];
	_ =	sdelay $0x3  }
0x9c: {  	vm1 =	veq.f32 v5, $1.000000000e+00  }
0x9d: {  	v4 =	vsel vm1, v57, v4  }
0x9e: {  	v5 =	vshll.u32 v4, $0x2  }
0x9f: {  	v4 =	vand.u32 $0x7F, v4;
	v5 =	vand.u32 $0xFFFFFE00, v5  }
0xa0: {  	v4 =	vor.u32 v5, v4  }
0xa1: {  	v4 =	vor.u32 v2, v4;
	_ =	sdelay $0x3  }
0xa2: {  	s28 =	rddreg [dreg:$0x17]  }
0xa3: {  	s25 =	sadd.s32 s20, s28;
	[tilespmem:v4+s3+$0x0] =	vst.idx.msk $0xf, v3  }
0xa4: {  	[hbm4b:s25+s1] =	stream.strided.scatter [tilespmem:s3], [sflag:$0x9], $0x4000, s4, s1, $0x38;
	[tilespmem:$0x1A080] =	vst v63  }
0xa5: {  	s25 =	simm.s32 @!p0 $0xC  }
0xa6: {  	_ =	swait.ge @!p0 [sflag:s25], $0x4000  }
0xa7: {  	[sflag:s25] =	ssyncset.done @!p0 $0x0  }
0xa8: {  	s24 =	sadd.s32 @!p0 $0x40, s24;
	[sflag:s25] =	ssyncadd.s32 @!p0 $0xFFFFC000;
	s25 =	simm.s32 @!p0 $0x14000  }
0xa9: {  	[tilespmem:s25], [sflag:$0x6] =	stream.strided.gather @!p0 [hbm4b:s24+s23], $0x4000, s26, s23, $0x38;
	[tilespmem:$0x1A080] =	vst v63  }
0xaa: {  	_ =	swait.ge [sflag:s13], $0x4000  }
0xab: {  	[sflag:s13] =	ssyncset.done $0x0  }
0xac: {  	[sflag:s13] =	ssyncadd.s32 $0xFFFFC000  }
0xad: {  	v4 =	vld [tilespmem:s19+$0x0];
	_ =	sdelay $0x4  }
0xae: {  	v4 =	vnsel vm0, $0x0, v4  }
0xaf: {  	v5 =	vshll.u32 v4, $0x2  }
0xb0: {  	v58 =	vand.u32 $0x7F, v4;
	v5 =	vand.u32 $0xFFFFFE00, v5  }
0xb1: {  	v5 =	vor.u32 v5, v58  }
0xb2: {  	v5 =	vor.u32 v2, v5;
	_ =	sdelay $0x4  }
0xb3: {  	v5 =	vld.idx.msk [tilespmem:v5+s31+$0x0], $0xf;
	_ =	sdelay $0x4  }
0xb4: {  	[tilespmem:s22+$0x0] =	vst v5  }
0xb5: {  	v59 =	vld [tilespmem:s0+$0x0];
	_ =	sdelay $0x3  }
0xb6: {  	vm1 =	veq.f32 v5, $1.000000000e+00  }
0xb7: {  	v4 =	vsel vm1, v59, v4  }
0xb8: {  	v5 =	vshll.u32 v4, $0x2  }
0xb9: {  	v4 =	vand.u32 $0x7F, v4;
	v5 =	vand.u32 $0xFFFFFE00, v5  }
0xba: {  	v4 =	vor.u32 v5, v4  }
0xbb: {  	v4 =	vor.u32 v2, v4;
	_ =	sdelay $0x3  }
0xbc: {  	s24 =	rddreg [dreg:$0x1c]  }
0xbd: {  	s23 =	sadd.s32 s20, s24;
	[tilespmem:v4+s31+$0x0] =	vst.idx.msk $0xf, v3  }
0xbe: {  	[hbm4b:s23+s1] =	stream.strided.scatter [tilespmem:s31], [sflag:$0xA], $0x4000, s4, s1, $0x38;
	[tilespmem:$0x1A080] =	vst v63  }
0xbf: {  	_ =	swait.ge [sflag:s14], $0x4000  }
0xc0: {  	[sflag:s14] =	ssyncset.done $0x0;
	s25 =	rddreg [dreg:$0x1b]  }
0xc1: {  	[sflag:s14] =	ssyncadd.s32 $0xFFFFC000;
	s23 =	sadd.s32 s20, s25  }
0xc2: {  	[tilespmem:s5], [sflag:$0x1] =	stream.strided.gather [hbm4b:s23+s1], $0x4000, s4, s1, $0x38;
	[tilespmem:$0x1A080] =	vst v63  }
0xc3: {  	_ =	swait.ge [sflag:s15], $0x4000  }
0xc4: {  	[sflag:s15] =	ssyncset.done $0x0  }
0xc5: {  	[sflag:s15] =	ssyncadd.s32 $0xFFFFC000  }
0xc6: {  	v4 =	vld [tilespmem:s19+$0x4];
	_ =	sdelay $0x4  }
0xc7: {  	v4 =	vnsel vm0, $0x0, v4  }
0xc8: {  	v5 =	vshll.u32 v4, $0x2  }
0xc9: {  	v60 =	vand.u32 $0x7F, v4;
	v5 =	vand.u32 $0xFFFFFE00, v5  }
0xca: {  	v5 =	vor.u32 v5, v60  }
0xcb: {  	v5 =	vor.u32 v2, v5;
	_ =	sdelay $0x4  }
0xcc: {  	v5 =	vld.idx.msk [tilespmem:v5+s6+$0x0], $0xf;
	_ =	sdelay $0x4  }
0xcd: {  	[tilespmem:s22+$0x4] =	vst v5  }
0xce: {  	v61 =	vld [tilespmem:s0+$0x4];
	_ =	sdelay $0x3  }
0xcf: {  	vm1 =	veq.f32 v5, $1.000000000e+00  }
0xd0: {  	v4 =	vsel vm1, v61, v4  }
0xd1: {  	v5 =	vshll.u32 v4, $0x2  }
0xd2: {  	v4 =	vand.u32 $0x7F, v4;
	v5 =	vand.u32 $0xFFFFFE00, v5  }
0xd3: {  	v4 =	vor.u32 v5, v4  }
0xd4: {  	v4 =	vor.u32 v2, v4;
	_ =	sdelay $0x3  }
0xd5: {  	s26 =	rddreg [dreg:$0x19]  }
0xd6: {  	s24 =	sadd.s32 s20, s26;
	[tilespmem:v4+s6+$0x0] =	vst.idx.msk $0xf, v3  }
0xd7: {  	[hbm4b:s24+s1] =	stream.strided.scatter [tilespmem:s6], [sflag:$0xB], $0x4000, s4, s1, $0x38;
	[tilespmem:$0x1A080] =	vst v63  }
0xd8: {  	_ =	swait.ge [sflag:s16], $0x4000  }
0xd9: {  	[sflag:s16] =	ssyncset.done $0x0  }
0xda: {  	s23 =	sadd.s32 $0x40, s23;
	[sflag:s16] =	ssyncadd.s32 $0xFFFFC000  }
0xdb: {  	[tilespmem:s2], [sflag:$0x2] =	stream.strided.gather [hbm4b:s23+s1], $0x4000, s4, s1, $0x38;
	[tilespmem:$0x1A080] =	vst v63  }
0xdc: {  	_ =	swait.ge [sflag:s17], $0x4000  }
0xdd: {  	[sflag:s17] =	ssyncset.done $0x0  }
0xde: {  	[sflag:s17] =	ssyncadd.s32 $0xFFFFC000  }
0xdf: {  	v4 =	vld [tilespmem:s19+$0x8];
	_ =	sdelay $0x4  }
0xe0: {  	v4 =	vnsel vm0, $0x0, v4  }
0xe1: {  	v5 =	vshll.u32 v4, $0x2  }
0xe2: {  	v62 =	vand.u32 $0x7F, v4;
	v5 =	vand.u32 $0xFFFFFE00, v5  }
0xe3: {  	v5 =	vor.u32 v5, v62  }
0xe4: {  	v5 =	vor.u32 v2, v5;
	_ =	sdelay $0x4  }
0xe5: {  	v5 =	vld.idx.msk [tilespmem:v5+s7+$0x0], $0xf;
	_ =	sdelay $0x4  }
0xe6: {  	[tilespmem:s22+$0x8] =	vst v5  }
0xe7: {  	v63 =	vld [tilespmem:s0+$0x8];
	_ =	sdelay $0x3  }
0xe8: {  	vm1 =	veq.f32 v5, $1.000000000e+00  }
0xe9: {  	v4 =	vsel vm1, v63, v4  }
0xea: {  	v5 =	vshll.u32 v4, $0x2  }
0xeb: {  	v4 =	vand.u32 $0x7F, v4;
	v5 =	vand.u32 $0xFFFFFE00, v5  }
0xec: {  	v4 =	vor.u32 v5, v4  }
0xed: {  	v4 =	vor.u32 v2, v4  }
0xee: {  	p0 =	seq.s32 s20, $0x3C000  }
.Ltmp1:
0xef: {  	_ = 	snop;
	(pc) =	sbr.rel @p0 .LBB2_6-.Ltmp1, $4  }
0xf0: {  	_ = 	snop  }
0xf1: {  	s28 =	rddreg [dreg:$0x1d]  }
0xf2: {  	s23 =	sadd.s32 s20, s28;
	[tilespmem:v4+s7+$0x0] =	vst.idx.msk $0xf, v3  }
0xf3: {  	[hbm4b:s23+s1] =	stream.strided.scatter [tilespmem:s7], [sflag:$0xC], $0x4000, s4, s1, $0x38;
	[tilespmem:$0x1A080] =	vst v63  }
.Ltmp2:
0xf4: {  	_ =	swait.ge [sflag:s8], $0x4000;
	s21 =	sadd.s32 $0x6, s21;
	(pc) =	sbr.rel .LBB2_4-.Ltmp2, $4  }
0xf5: {  	s9 =	sadd.s32 $0x180, s9;
	s0 =	sadd.s32 $0x18, s0;
	s22 =	sadd.s32 $0x18, s22  }
0xf6: {  	s19 =	sadd.s32 $0x18, s19;
	[sflag:s8] =	ssyncset.done $0x0;
	s23 =	rddreg [dreg:$0x18]  }
0xf7: {  	[sflag:s8] =	ssyncadd.s32 $0xFFFFC000;
	s23 =	sadd.s32 s20, s23;
	s20 =	sadd.s32 $0x3000, s20  }
0xf8: {  	[tilespmem:s3], [sflag:$0x3] =	stream.strided.gather [hbm4b:s23+s1], $0x4000, s4, s1, $0x38;
	[tilespmem:$0x1A080] =	vst v63  }
.LBB2_6:
0xf9: {  	_ =	swait.ge [sflag:s10], $0x4000  }
0xfa: {  	[sflag:s10] =	ssyncset.done $0x0  }
0xfb: {  	[sflag:s10] =	ssyncadd.s32 $0xFFFFC000  }
0xfc: {  	v4 =	vld [tilespmem:$0x19AF8];
	_ =	sdelay $0x4  }
0xfd: {  	v4 =	vnsel vm0, $0x0, v4  }
0xfe: {  	v5 =	vshll.u32 v4, $0x2  }
0xff: {  	v6 =	vand.u32 $0x7F, v4;
	v5 =	vand.u32 $0xFFFFFE00, v5  }
0x100: {  	v5 =	vor.u32 v5, v6  }
0x101: {  	v5 =	vor.u32 v2, v5;
	_ =	sdelay $0x3  }
0x102: {  	s20 =	simm.s32 $0x0  }
0x103: {  	v5 =	vld.idx.msk [tilespmem:v5+s20+$0x0], $0xf  }
0x104: {  	v60 =	vld [tilespmem:$0x19D78];
	_ =	sdelay $0x3  }
0x105: {  	vm1 =	veq.f32 v5, $1.000000000e+00  }
0x106: {  	v4 =	vsel vm1, v60, v4  }
0x107: {  	v6 =	vshll.u32 v4, $0x2  }
0x108: {  	v4 =	vand.u32 $0x7F, v4;
	v6 =	vand.u32 $0xFFFFFE00, v6  }
0x109: {  	v4 =	vor.u32 v6, v4  }
0x10a: {  	v4 =	vor.u32 v2, v4;
	_ =	sdelay $0x3  }
0x10b: {  	[tilespmem:$0x19FF8] =	vst v5  }
0x10c: {  	s0 =	rddreg [dreg:$0x10];
	[tilespmem:v4+s20+$0x0] =	vst.idx.msk $0xf, v3  }
0x10d: {  	[hbm4b:s0+s1] =	stream.strided.scatter [tilespmem:s20], [sflag:$0x7], $0x4000, s4, s1, $0x38;
	[tilespmem:$0x1A080] =	vst v63  }
0x10e: {  	_ =	swait.ge [sflag:s11], $0x4000  }
0x10f: {  	[sflag:s11] =	ssyncset.done $0x0  }
0x110: {  	[sflag:s11] =	ssyncadd.s32 $0xFFFFC000  }
0x111: {  	v4 =	vld [tilespmem:$0x19AFC];
	_ =	sdelay $0x4  }
0x112: {  	v4 =	vnsel vm0, $0x0, v4  }
0x113: {  	v5 =	vshll.u32 v4, $0x2  }
0x114: {  	v61 =	vand.u32 $0x7F, v4;
	v5 =	vand.u32 $0xFFFFFE00, v5  }
0x115: {  	v5 =	vor.u32 v5, v61  }
0x116: {  	v5 =	vor.u32 v2, v5;
	_ =	sdelay $0x4  }
0x117: {  	v5 =	vld.idx.msk [tilespmem:v5+s2+$0x0], $0xf  }
0x118: {  	v62 =	vld [tilespmem:$0x19D7C];
	_ =	sdelay $0x3  }
0x119: {  	vm1 =	veq.f32 v5, $1.000000000e+00  }
0x11a: {  	v4 =	vsel vm1, v62, v4  }
0x11b: {  	v6 =	vshll.u32 v4, $0x2  }
0x11c: {  	v4 =	vand.u32 $0x7F, v4;
	v6 =	vand.u32 $0xFFFFFE00, v6  }
0x11d: {  	v4 =	vor.u32 v6, v4  }
0x11e: {  	v4 =	vor.u32 v2, v4;
	_ =	sdelay $0x3  }
0x11f: {  	[tilespmem:$0x19FFC] =	vst v5  }
0x120: {  	s9 =	simm.s32 $0x19680;
	s26 =	rddreg [dreg:$0x11];
	[tilespmem:v4+s2+$0x0] =	vst.idx.msk $0xf, v3  }
0x121: {  	[hbm4b:s26+s1] =	stream.strided.scatter [tilespmem:s2], [sflag:$0x8], $0x4000, s4, s1, $0x38;
	[tilespmem:$0x1A080] =	vst v63  }
0x122: {  	s0 =	simm.s32 $0x19E00;
	v3 =	vld [tilespmem:s9+$0x0]  }
0x123: {  	s9 =	simm.s32 $0x19400;
	v4 =	vld [tilespmem:s0+$0x0]  }
0x124: {  	s19 =	simm.s32 $0x18F00;
	v5 =	vmov s20;
	v63 =	vld [tilespmem:s9+$0x0]  }
0x125: {  	s28 =	simm.s32 $0x19180;
	v5 =	vshll.u32 v5, $0x1;
	v7 =	vld [tilespmem:s19+$0x0]  }
0x126: {  	v5 =	vor.u32 v1, v5;
	v8 =	vld [tilespmem:s28+$0x0]  }
0x127: {  	v9 =	vor.u32 $0x1, v5  }
0x128: {  	vm1 =	veq.f32 v4, $1.000000000e+00  }
0x129: {  	v6 =	vsel vm1, $0x0, v63  }
0x12a: {  	v3 =	vsel vm1, $0x0, v3;
	v6 =	vadd.s32 v7, v6  }
0x12b: {  	s24 =	simm.s32 $0x18B80;
	s21 =	simm.s32 $0x19190;
	vm1 =	veq.f32 v4, $2.000000000e+00;
	v3 =	vadd.s32 v8, v3;
	[tilespmem:v5+s18+$0x0] =	vst.idx.msk $0xffff, v6  }
0x12c: {  	s22 =	simm.s32 $0x19690;
	s23 =	simm.s32 $0x18B90;
	s20 =	simm.s32 $0x10;
	[tilespmem:v9+s18+$0x0] =	vst.idx.msk $0xffff, v3;
	v3 =	vsel vm1, $0x1, v0  }
.LBB2_7:
0x12d: {  	[tilespmem:s24+$0x0] =	vst v3;
	s0 =	sadd.s32 $0x10, s0;
	s19 =	sadd.s32 $0x10, s19;
	s9 =	sadd.s32 $0x10, s9  }
0x12e: {  	p0 =	sne.s32 s20, $0x1F0;
	s25 =	smov.u32 s20;
	s20 =	sadd.s32 $0x10, s20;
	v3 =	vld [tilespmem:s22+$0x0]  }
0x12f: {  	s24 =	smov.u32 s23;
	v4 =	vld [tilespmem:s0+$0x0]  }
0x130: {  	v5 =	vmov s25;
	v6 =	vld [tilespmem:s9+$0x0]  }
0x131: {  	v5 =	vshll.u32 v5, $0x1;
	v7 =	vld [tilespmem:s19+$0x0]  }
0x132: {  	v5 =	vor.u32 v1, v5;
	v8 =	vld [tilespmem:s21+$0x0]  }
0x133: {  	v9 =	vor.u32 $0x1, v5  }
.Ltmp3:
0x134: {  	vm1 =	veq.f32 v4, $1.000000000e+00;
	vm2 =	veq.f32 v4, $2.000000000e+00;
	(pc) =	sbr.rel @p0 .LBB2_7-.Ltmp3, $4  }
0x135: {  	v4 =	vsel vm1, $0x0, v6;
	v3 =	vsel vm1, $0x0, v3  }
0x136: {  	v4 =	vadd.s32 v7, v4  }
0x137: {  	v3 =	vadd.s32 v8, v3;
	[tilespmem:v5+s18+$0x0] =	vst.idx.msk $0xffff, v4  }
0x138: {  	s23 =	sadd.s32 $0x10, s23;
	s22 =	sadd.s32 $0x10, s22;
	s21 =	sadd.s32 $0x10, s21;
	[tilespmem:v9+s18+$0x0] =	vst.idx.msk $0xffff, v3;
	v3 =	vsel vm2, $0x1, v0  }
0x139: {  	[tilespmem:s24+$0x0] =	vst v3;
	s0 =	rddreg [dreg:$0x12];
	s20 =	simm.s32 $0xD  }
0x13a: {  	[hbm4b:s0+s5] =	stream.linear.scatter [tilespmem:s18], [sflag:$0xD], $0x400, $0x38;
	[tilespmem:$0x1A080] =	vst v63  }
0x13b: {  	_ =	swait.ge [sflag:s20], $0x400  }
0x13c: {  	[sflag:s20] =	ssyncset.done $0x0  }
0x13d: {  	s9 =	simm.s32 $0x18B80;
	s22 =	rddreg [dreg:$0x13];
	[sflag:s20] =	ssyncadd.s32 $0xFFFFFC00  }
0x13e: {  	[hbm4b:s22+s5] =	stream.linear.scatter [tilespmem:s9], [sflag:$0xD], $0x200, $0x38;
	[tilespmem:$0x1A080] =	vst v63  }
0x13f: {  	_ =	swait.ge [sflag:s20], $0x200  }
0x140: {  	[sflag:s20] =	ssyncset.done $0x0  }
0x141: {  	[sflag:s20] =	ssyncadd.s32 $0xFFFFFE00  }
0x142: {  	_ =	swait.ge [sflag:s8], $0x4000  }
0x143: {  	[sflag:s8] =	ssyncset.done $0x0  }
0x144: {  	s23 =	simm.s32 $0xA;
	[sflag:s8] =	ssyncadd.s32 $0xFFFFC000  }
0x145: {  	_ =	swait.ge [sflag:s23], $0x4000  }
0x146: {  	[sflag:s23] =	ssyncset.done $0x0  }
0x147: {  	s24 =	simm.s32 $0xB;
	[sflag:s23] =	ssyncadd.s32 $0xFFFFC000  }
0x148: {  	_ =	swait.ge [sflag:s24], $0x4000  }
0x149: {  	[sflag:s24] =	ssyncset.done $0x0  }
0x14a: {  	s25 =	simm.s32 $0xC;
	[sflag:s24] =	ssyncadd.s32 $0xFFFFC000  }
0x14b: {  	_ =	swait.ge [sflag:s25], $0x4000  }
0x14c: {  	[sflag:s25] =	ssyncset.done $0x0  }
0x14d: {  	[sflag:s25] =	ssyncadd.s32 $0xFFFFC000  }
0x14e: {  	_ =	swait.ge [sflag:s14], $0x4000  }
0x14f: {  	[sflag:s14] =	ssyncset.done $0x0  }
0x150: {  	[sflag:s14] =	ssyncadd.s32 $0xFFFFC000  }
0x151: {  	_ =	swait.ge [sflag:s16], $0x4000  }
0x152: {  	s26 =	rddreg [dreg:$0x1e]  }
0x153: {  	s28 =	rddreg [dreg:$0x14];
	s9 =	sadd.s32 $0x1, s26  }
0x154: {  	p0 =	sne.s32 s9, s28  }
.Ltmp4:
0x155: {  	_ = 	snop;
	(pc) =	sbr.rel @p0 .LBB2_1-.Ltmp4, $3  }
0x156: {  	_ =	sdelay $0x1  }
0x157: {  	[sflag:s16] =	ssyncset.done $0x0  }
0x158: {  	[sflag:s16] =	ssyncadd.s32 $0xFFFFC000  }
0x159: {  	_ =	sfence.sel $0x180000  }
0x15a: {  	[bflag:$0x0] =	sbarrier.arrive $0xFFFF  }
0x15b: {  	_ =	strace $0x90000047  }
0x15c: {  	s0 =	stileid.u32;
	[bflag:$0x2] =	sbarrier.arrive $0xFFFF  }
0x15d: {  	p0 =	sne.s32 s0, $0x0;
	s0 =	rddreg [dreg:$0x7]  }
0x15e: {  	s0 =	sadd.s32 @!p0 $0x100000, s0  }
0x15f: {  	[sflag:s0] =	ssyncadd.tile.s32 @!p0 $0x1;
	_ =	shalt  }
.Lfunc_end2:
_tile_overlayer_lowered:
.L_overlay_start_2:
0x160: {  	(tag) =	ssettag $0x2  }
0x161: {  	s0 =	rddreg [dreg:$0x0];
	s2 =	stileid.u32  }
0x162: {  	s1 =	rddreg [dreg:$0x1];
	p0 =	sne.s32 s2, $0x0  }
0x163: {  	s3 =	rddreg [dreg:$0x2];
	[bflag:$0x3] =	sbarrier.arrive $0xFFFF;
	s2 =	simm.s32 @!p0 $0x1C0E  }
0x164: {  	[timem:s3], [sflag:s2] =	dma.local @!p0 [hbm:s0], s1  }
0x165: {  	s0 =	simm.s32 @!p0 $0xE  }
0x166: {  	_ =	swait.ge @!p0 [sflag:s0], s1  }
0x167: {  	s1 =	ssub.s32 @!p0 $0x0, s1;
	[sflag:s0] =	ssyncset.done @!p0 $0x0  }
0x168: {  	[sflag:s0] =	ssyncadd.s32 @!p0 s1  }
0x169: {  	[bflag:$0x3] =	sbarrier.arrive $0xFFFF  }
0x16a: {  	_ =	shalt  }

</sc_bundles>
